<compile_context>
chip_gen: v7x
topology: tpu7x:2x2x1
jax: 0.10.2.dev20260603
libtpu: 0.0.44.dev20260713+nightly
codegen_flags: <defaults>
</compile_context>

<pallas_src>
import jax
import jax.numpy as jnp
from jax import lax
from jax.experimental import pallas as pl
from jax.experimental.pallas import tpu as pltpu
from jax.experimental.pallas import tpu_sc as plsc

B = 1024
K = 5
SYN = 64
SEM = 32
LANES = 128
HV_PER_SUP = LANES // SEM
CAT_PER_SUP = LANES // SYN
NC = 2
NS = 16
NW = NC * NS
CAT_PW = B // NW
HV_TOTAL = 2 * B * K
HV_CHUNK = 80
HV_CHUNKS_PW = HV_TOTAL // (NW * HV_CHUNK)
HV_PW = HV_CHUNK * HV_CHUNKS_PW


def _compact_body(in_ref, out_ref):
    x = in_ref[...]
    d = x.shape[0]
    r = LANES // d
    slabs = []
    for s in range(x.shape[1] // (r * LANES)):
        v = jnp.concatenate(
            [x[:, (s * r + m) * LANES:(s * r + m + 1) * LANES]
             for m in range(r)], axis=0)
        slabs.append(jnp.transpose(v))
    out_ref[...] = jnp.concatenate(slabs, axis=0)


def _compact(table_t, blk_cols):
    d, v = table_t.shape
    blk_rows = d * blk_cols // LANES
    n_blocks = -(-v // blk_cols)
    out_rows = n_blocks * blk_rows
    return pl.pallas_call(
        _compact_body,
        grid=(n_blocks,),
        in_specs=[pl.BlockSpec((d, blk_cols), lambda c: (0, c))],
        out_specs=pl.BlockSpec((blk_rows, LANES), lambda c: (c, 0)),
        out_shape=jax.ShapeDtypeStruct((out_rows, LANES), jnp.float32),
    )(table_t)


def _sc_body(cat_ix_hbm, hv_ix_hbm, cat_sup_hbm, hv_sup_hbm,
             cat_out_hbm, hv_out_hbm,
             cat_idx_v, hv_idx_v, cat_rows_v, hv_rows_v, sem):
    wid = lax.axis_index("s") * NC + lax.axis_index("c")
    pltpu.sync_copy(cat_ix_hbm.at[pl.ds(wid * CAT_PW, CAT_PW)], cat_idx_v)
    pltpu.sync_copy(hv_ix_hbm.at[pl.ds(wid * HV_CHUNKS_PW, HV_CHUNKS_PW)],
                    hv_idx_v)
    copies = [pltpu.async_copy(cat_sup_hbm.at[cat_idx_v], cat_rows_v, sem)]
    for j in range(HV_CHUNKS_PW):
        copies.append(pltpu.async_copy(
            hv_sup_hbm.at[hv_idx_v.at[j]],
            hv_rows_v.at[pl.ds(j * HV_CHUNK, HV_CHUNK)], sem))
    for c in copies:
        c.wait()
    pltpu.sync_copy(cat_rows_v, cat_out_hbm.at[pl.ds(wid * CAT_PW, CAT_PW)])
    pltpu.sync_copy(hv_rows_v, hv_out_hbm.at[pl.ds(wid * HV_PW, HV_PW)])


def _sc_gather(cat_sup_ix, hv_sup_ix, cat_sup, hv_sup):
    mesh = plsc.VectorSubcoreMesh(core_axis_name="c", subcore_axis_name="s")
    return pl.kernel(
        _sc_body,
        mesh=mesh,
        out_type=(
            jax.ShapeDtypeStruct((B, LANES), jnp.float32),
            jax.ShapeDtypeStruct((HV_TOTAL, LANES), jnp.float32),
        ),
        scratch_types=[
            pltpu.VMEM((CAT_PW,), jnp.int32),
            pltpu.VMEM((HV_CHUNKS_PW, HV_CHUNK), jnp.int32),
            pltpu.VMEM((CAT_PW, LANES), jnp.float32),
            pltpu.VMEM((HV_PW, LANES), jnp.float32),
            pltpu.SemaphoreType.DMA,
        ],
    )(cat_sup_ix, hv_sup_ix, cat_sup, hv_sup)


def _select_sub(rows, sub, width):
    out = jnp.where(sub == 0, rows[:, 0:width], 0.0)
    for p in range(1, LANES // width):
        out = out + jnp.where(sub == p, rows[:, p * width:(p + 1) * width],
                              0.0)
    return out


def _dedup_weighted_sum(ix, hv, base):
    sub = jnp.bitwise_and(jnp.right_shift(ix, 7), HV_PER_SUP - 1)
    acc = _select_sub(hv[base], sub[:, 0:1], SEM)
    for j in range(1, K):
        dup = (ix[:, 0:1] == ix[:, j:j + 1]).astype(jnp.float32)
        for i in range(1, j):
            dup = jnp.maximum(
                dup, (ix[:, i:i + 1] == ix[:, j:j + 1]).astype(jnp.float32))
        acc = acc + (1.0 - dup) * _select_sub(hv[base + j], sub[:, j:j + 1],
                                              SEM)
    return acc


def _tc_body(cat_rows_ref, hv_rows_ref, cat_ix_ref, hvb_ix_ref, hvf_ix_ref,
             hvb_top_ref, hvf_top_ref, d_onehot_ref,
             w1t_ref, b1_ref, w2t_ref, b2_ref, out_ref):
    hv = hv_rows_ref[...]
    hvb_e = _dedup_weighted_sum(hvb_ix_ref[...], hv, 0) + hvb_top_ref[...]
    hvf_e = _dedup_weighted_sum(hvf_ix_ref[...], hv, K) + hvf_top_ref[...]
    cat_sub = jnp.bitwise_and(jnp.right_shift(cat_ix_ref[...], 7),
                              CAT_PER_SUP - 1)
    cat_e = _select_sub(cat_rows_ref[...], cat_sub, SYN)
    x = jnp.concatenate([cat_e, hvb_e, hvf_e, d_onehot_ref[...]], axis=1)
    h = jnp.maximum(
        jnp.dot(x, w1t_ref[...], preferred_element_type=jnp.float32)
        + b1_ref[...], 0.0)
    o = jnp.dot(h, w2t_ref[...], preferred_element_type=jnp.float32)
    o = o + b2_ref[...]
    m = jnp.max(o, axis=1, keepdims=True)
    s = o - m
    out_ref[...] = s - jnp.log(jnp.sum(jnp.exp(s), axis=1, keepdims=True))


def _tc_mlp(cat_rows, hv_rows, cat_ix, hvb_ix, hvf_ix, hvb_top, hvf_top,
            d_onehot, w1t, b1, w2t, b2):
    out_dim = w2t.shape[1]
    nb = 2
    bb = B // nb
    full = lambda shape: pl.BlockSpec(shape, lambda g: tuple(0 for _ in shape))
    row = lambda cols: pl.BlockSpec((bb, cols), lambda g: (g, 0))
    return pl.pallas_call(
        _tc_body,
        grid=(nb,),
        in_specs=[
            row(LANES),
            pl.BlockSpec((2 * K, bb, LANES), lambda g: (0, g, 0)),
            row(1), row(K), row(K), row(SEM), row(SEM), row(7),
            full(w1t.shape), full(b1.shape), full(w2t.shape), full(b2.shape),
        ],
        out_specs=row(out_dim),
        out_shape=jax.ShapeDtypeStruct((B, out_dim), jnp.float32),
    )(cat_rows, hv_rows, cat_ix, hvb_ix, hvf_ix, hvb_top, hvf_top,
      d_onehot, w1t, b1, w2t, b2)


def kernel(d_onehot, cat_b_ix, hvb_ix, hvf_ix, hvb_top, hvf_top, use_gpu,
           cat_emb, hvec_emb, fc1_w, fc1_b, fc2_w, fc2_b):
    cat_ix = cat_b_ix.astype(jnp.int32)
    hvb_i = hvb_ix.astype(jnp.int32)
    hvf_i = hvf_ix.astype(jnp.int32)
    hv_flat = jnp.concatenate([hvb_i.T.reshape(-1), hvf_i.T.reshape(-1)])
    hv_sup_ix = (
        ((hv_flat >> 9) << 7) + (hv_flat & 127)
    ).reshape(HV_TOTAL // HV_CHUNK, HV_CHUNK)
    cat_sup_ix = ((cat_ix >> 8) << 7) + (cat_ix & 127)
    cat_sup = _compact(cat_emb.T, 10240)
    hv_sup = _compact(hvec_emb.T, 20480)
    cat_rows, hv_rows = _sc_gather(cat_sup_ix, hv_sup_ix, cat_sup, hv_sup)
    return _tc_mlp(cat_rows, hv_rows.reshape(2 * K, B, LANES),
                   cat_ix.reshape(B, 1), hvb_i, hvf_i,
                   hvb_top, hvf_top, d_onehot,
                   fc1_w.T, fc1_b.reshape(1, -1),
                   fc2_w.T, fc2_b.reshape(1, -1))

# --- scband reference (transcript-rebuilt; emitter-appended) ---
"""Pipeline reference for scband-fmodel-52080773431571 (READ-ONLY COPY).

The authoritative reference and input builder live on the scoring server;
editing this copy changes nothing except your own understanding.
"""

import jax, jax.numpy as jnp
import numpy as np

CAT_VOCAB = 10000
HVEC_VOCAB = 100000
SYN = 64
SEM = 32
HIDDEN = 512
OUT = 1000
B = 1024
K = 5

def setup_inputs(seed: int = 0) -> dict:
    key = jax.random.key(seed)
    ks = jax.random.split(key, 12)
    d_onehot = jax.random.uniform(ks[0], (B, 7), dtype=jnp.float32)
    cat_b_ix = jax.random.randint(ks[1], (B,), 0, CAT_VOCAB, dtype=jnp.int64 if jax.config.jax_enable_x64 else jnp.int32)
    hvb_ix = jax.random.randint(ks[2], (B, K), 0, HVEC_VOCAB)
    hvf_ix = jax.random.randint(ks[3], (B, K), 0, HVEC_VOCAB)
    hvb_top = jax.random.normal(ks[4], (B, SEM), dtype=jnp.float32)
    hvf_top = jax.random.normal(ks[5], (B, SEM), dtype=jnp.float32)
    cat_emb = jax.random.normal(ks[6], (CAT_VOCAB, SYN), dtype=jnp.float32) * 0.02
    hvec_emb = jax.random.normal(ks[7], (HVEC_VOCAB, SEM), dtype=jnp.float32) * 0.02
    fan_in1 = 7 + SYN + 2 * SEM
    fc1_w = jax.random.uniform(ks[8], (HIDDEN, fan_in1), dtype=jnp.float32, minval=-1.0, maxval=1.0) / np.sqrt(fan_in1)
    fc1_b = jnp.zeros((HIDDEN,), dtype=jnp.float32)
    fc2_w = jax.random.uniform(ks[9], (OUT, HIDDEN), dtype=jnp.float32, minval=-1.0, maxval=1.0) / np.sqrt(HIDDEN)
    fc2_b = jnp.zeros((OUT,), dtype=jnp.float32)
    return {"d_onehot": d_onehot, "cat_b_ix": cat_b_ix, "hvb_ix": hvb_ix, "hvf_ix": hvf_ix,
            "hvb_top": hvb_top, "hvf_top": hvf_top, "use_gpu": -1,
            "cat_emb": cat_emb, "hvec_emb": hvec_emb,
            "fc1_w": fc1_w, "fc1_b": fc1_b, "fc2_w": fc2_w, "fc2_b": fc2_b}

def _multihot(ix, vocab):
    b = ix.shape[0]
    rows = jnp.arange(b)[:, None]
    return jnp.zeros((b, vocab), dtype=jnp.float32).at[rows, ix].set(1.0)

def reference(d_onehot, cat_b_ix, hvb_ix, hvf_ix, hvb_top, hvf_top, use_gpu,
              cat_emb, hvec_emb, fc1_w, fc1_b, fc2_w, fc2_b):
    vocab = hvec_emb.shape[0]
    cat_b_embed = jnp.take(cat_emb, cat_b_ix, axis=0)
    hvb_mat = _multihot(hvb_ix, vocab)
    hvf_mat = _multihot(hvf_ix, vocab)
    hvb_embed = hvb_mat @ hvec_emb + hvb_top
    hvf_embed = hvf_mat @ hvec_emb + hvf_top
    x = jnp.concatenate((cat_b_embed, hvb_embed, hvf_embed, d_onehot), axis=1)
    x = x @ fc1_w.T + fc1_b
    x = jax.nn.relu(x)
    x = x @ fc2_w.T + fc2_b
    return jax.nn.log_softmax(x, axis=1)

if __name__ == "__main__":
    import jax
    _d = setup_inputs()
    print(jax.jit(kernel)(*tuple(_d.values())))

</pallas_src>

<mosaic_0001>
#map = affine_map<(d0, d1) -> (0)>
#map1 = affine_map<(d0, d1) -> (0, 0)>
module attributes {stable_mosaic.version = 14 : i64} {
  func.func @_sc_body(%arg0: i32, %arg1: i32, %arg2: memref<1024xi32, #tpu.memory_space<hbm>>, %arg3: memref<128x80xi32, #tpu.memory_space<hbm>>, %arg4: memref<5120x128xf32, #tpu.memory_space<hbm>>, %arg5: memref<25600x128xf32, #tpu.memory_space<hbm>>, %arg6: memref<1024x128xf32, #tpu.memory_space<hbm>>, %arg7: memref<10240x128xf32, #tpu.memory_space<hbm>>, %arg8: memref<32xi32, #tpu.memory_space<vmem>>, %arg9: memref<4x80xi32, #tpu.memory_space<vmem>>, %arg10: memref<32x128xf32, #tpu.memory_space<vmem>>, %arg11: memref<320x128xf32, #tpu.memory_space<vmem>>, %arg12: memref<!tpu.dma_semaphore, #tpu.memory_space<semaphore_mem>>) attributes {dimension_semantics = [#tpu.dimension_semantics<core_parallel>, #tpu.dimension_semantics<subcore_parallel>], iteration_bounds = array<i64: 2, 16>, scalar_prefetch = 0 : i64, scratch_operands = 5 : i64, tpu.core_type = #tpu.core_type<sc_vector_subcore>, window_params = [{transform_indices = #map}, {transform_indices = #map1}, {transform_indices = #map1}, {transform_indices = #map1}, {transform_indices = #map1}, {transform_indices = #map1}]} {
    %mul3A = arith.constant 2 : i32
    %mul3A_0 = arith.muli %arg1, %mul3A : i32
    %add3A = arith.addi %mul3A_0, %arg0 : i32
    %mul3A_1 = arith.constant 32 : i32
    %mul3A_2 = arith.muli %add3A, %mul3A_1 : i32
    "tpu.region"() ({
      %run_scoped3A = tpu.sem_alloc : memref<!tpu.dma_semaphore, #tpu.memory_space<semaphore_mem>>
      %dma_start3A_93 = tpu.memref_slice %arg2[%mul3A_2] : memref<1024xi32, #tpu.memory_space<hbm>> -> memref<32xi32, #tpu.memory_space<hbm>>
      %dma_start3A_94 = tpu.memref_slice %arg2[%mul3A_2] : memref<1024xi32, #tpu.memory_space<hbm>> -> memref<32xi32, #tpu.memory_space<hbm>>
      tpu.enqueue_dma source(%dma_start3A_94 : memref<32xi32, #tpu.memory_space<hbm>>) target(%arg8 : memref<32xi32, #tpu.memory_space<vmem>>) target_semaphore(%run_scoped3A : memref<!tpu.dma_semaphore, #tpu.memory_space<semaphore_mem>>)
      %dma_wait3A_95 = tpu.memref_slice %arg2[%mul3A_2] : memref<1024xi32, #tpu.memory_space<hbm>> -> memref<32xi32, #tpu.memory_space<hbm>>
      %dma_wait3A_96 = tpu.memref_slice %arg2[%mul3A_2] : memref<1024xi32, #tpu.memory_space<hbm>> -> memref<32xi32, #tpu.memory_space<hbm>>
      tpu.wait_dma2 semaphore(%run_scoped3A : memref<!tpu.dma_semaphore, #tpu.memory_space<semaphore_mem>>) src(%dma_wait3A_96 : memref<32xi32, #tpu.memory_space<hbm>>) dst(%arg8 : memref<32xi32, #tpu.memory_space<vmem>>)
      tpu.yield
    }) : () -> ()
    %mul3A_3 = arith.constant 4 : i32
    %mul3A_4 = arith.muli %add3A, %mul3A_3 : i32
    "tpu.region"() ({
      %run_scoped3A = tpu.sem_alloc : memref<!tpu.dma_semaphore, #tpu.memory_space<semaphore_mem>>
      %dma_start3A_93 = arith.constant 0 : i32
      %dma_start3A_94 = tpu.memref_slice %arg3[%mul3A_4, %dma_start3A_93] : memref<128x80xi32, #tpu.memory_space<hbm>> -> memref<4x80xi32, #tpu.memory_space<hbm>>
      %dma_start3A_95 = arith.constant 0 : i32
      %dma_start3A_96 = tpu.memref_slice %arg3[%mul3A_4, %dma_start3A_95] : memref<128x80xi32, #tpu.memory_space<hbm>> -> memref<4x80xi32, #tpu.memory_space<hbm>>
      tpu.enqueue_dma source(%dma_start3A_96 : memref<4x80xi32, #tpu.memory_space<hbm>>) target(%arg9 : memref<4x80xi32, #tpu.memory_space<vmem>>) target_semaphore(%run_scoped3A : memref<!tpu.dma_semaphore, #tpu.memory_space<semaphore_mem>>)
      %dma_wait3A_97 = arith.constant 0 : i32
      %dma_wait3A_98 = tpu.memref_slice %arg3[%mul3A_4, %dma_wait3A_97] : memref<128x80xi32, #tpu.memory_space<hbm>> -> memref<4x80xi32, #tpu.memory_space<hbm>>
      %dma_wait3A_99 = arith.constant 0 : i32
      %dma_wait3A_100 = tpu.memref_slice %arg3[%mul3A_4, %dma_wait3A_99] : memref<128x80xi32, #tpu.memory_space<hbm>> -> memref<4x80xi32, #tpu.memory_space<hbm>>
      tpu.wait_dma2 semaphore(%run_scoped3A : memref<!tpu.dma_semaphore, #tpu.memory_space<semaphore_mem>>) src(%dma_wait3A_100 : memref<4x80xi32, #tpu.memory_space<hbm>>) dst(%arg9 : memref<4x80xi32, #tpu.memory_space<vmem>>)
      tpu.yield
    }) : () -> ()
    %dma_start3A = arith.constant 0 : i32
    %dma_start3A_5 = arith.constant 0 : i32
    %dma_start3A_6 = tpu.memref_slice %arg4[%dma_start3A, %dma_start3A_5] : memref<5120x128xf32, #tpu.memory_space<hbm>> -> memref<5120x128xf32, #tpu.memory_space<hbm>>
    tpu.enqueue_indirect_dma source(%dma_start3A_6 : memref<5120x128xf32, #tpu.memory_space<hbm>>) target(%arg10 : memref<32x128xf32, #tpu.memory_space<vmem>>) offsets(%arg8 : memref<32xi32, #tpu.memory_space<vmem>>) semaphore(%arg12 : memref<!tpu.dma_semaphore, #tpu.memory_space<semaphore_mem>>)
    %dma_start3A_7 = arith.constant 0 : i32
    %dma_start3A_8 = arith.constant 0 : i32
    %dma_start3A_9 = arith.constant 0 : i32
    %dma_start3A_10 = tpu.memref_slice %arg11[%dma_start3A_8, %dma_start3A_9] : memref<320x128xf32, #tpu.memory_space<vmem>> -> memref<80x128xf32, #tpu.memory_space<vmem>>
    %dma_start3A_11 = arith.constant 0 : i32
    %dma_start3A_12 = tpu.memref_slice %arg9[%dma_start3A_7, %dma_start3A_11] : memref<4x80xi32, #tpu.memory_space<vmem>> -> memref<1x80xi32, #tpu.memory_space<vmem>>
    %dma_start3A_13 = tpu.memref_squeeze %dma_start3A_12 : memref<1x80xi32, #tpu.memory_space<vmem>> -> memref<80xi32, #tpu.memory_space<vmem>>
    %dma_start3A_14 = arith.constant 0 : i32
    %dma_start3A_15 = arith.constant 0 : i32
    %dma_start3A_16 = tpu.memref_slice %arg5[%dma_start3A_14, %dma_start3A_15] : memref<25600x128xf32, #tpu.memory_space<hbm>> -> memref<25600x128xf32, #tpu.memory_space<hbm>>
    tpu.enqueue_indirect_dma source(%dma_start3A_16 : memref<25600x128xf32, #tpu.memory_space<hbm>>) target(%dma_start3A_10 : memref<80x128xf32, #tpu.memory_space<vmem>>) offsets(%dma_start3A_13 : memref<80xi32, #tpu.memory_space<vmem>>) semaphore(%arg12 : memref<!tpu.dma_semaphore, #tpu.memory_space<semaphore_mem>>)
    %dma_start3A_17 = arith.constant 1 : i32
    %dma_start3A_18 = arith.constant 80 : i32
    %dma_start3A_19 = arith.constant 0 : i32
    %dma_start3A_20 = tpu.memref_slice %arg11[%dma_start3A_18, %dma_start3A_19] : memref<320x128xf32, #tpu.memory_space<vmem>> -> memref<80x128xf32, #tpu.memory_space<vmem>>
    %dma_start3A_21 = arith.constant 0 : i32
    %dma_start3A_22 = tpu.memref_slice %arg9[%dma_start3A_17, %dma_start3A_21] : memref<4x80xi32, #tpu.memory_space<vmem>> -> memref<1x80xi32, #tpu.memory_space<vmem>>
    %dma_start3A_23 = tpu.memref_squeeze %dma_start3A_22 : memref<1x80xi32, #tpu.memory_space<vmem>> -> memref<80xi32, #tpu.memory_space<vmem>>
    %dma_start3A_24 = arith.constant 0 : i32
    %dma_start3A_25 = arith.constant 0 : i32
    %dma_start3A_26 = tpu.memref_slice %arg5[%dma_start3A_24, %dma_start3A_25] : memref<25600x128xf32, #tpu.memory_space<hbm>> -> memref<25600x128xf32, #tpu.memory_space<hbm>>
    tpu.enqueue_indirect_dma source(%dma_start3A_26 : memref<25600x128xf32, #tpu.memory_space<hbm>>) target(%dma_start3A_20 : memref<80x128xf32, #tpu.memory_space<vmem>>) offsets(%dma_start3A_23 : memref<80xi32, #tpu.memory_space<vmem>>) semaphore(%arg12 : memref<!tpu.dma_semaphore, #tpu.memory_space<semaphore_mem>>)
    %dma_start3A_27 = arith.constant 2 : i32
    %dma_start3A_28 = arith.constant 160 : i32
    %dma_start3A_29 = arith.constant 0 : i32
    %dma_start3A_30 = tpu.memref_slice %arg11[%dma_start3A_28, %dma_start3A_29] : memref<320x128xf32, #tpu.memory_space<vmem>> -> memref<80x128xf32, #tpu.memory_space<vmem>>
    %dma_start3A_31 = arith.constant 0 : i32
    %dma_start3A_32 = tpu.memref_slice %arg9[%dma_start3A_27, %dma_start3A_31] : memref<4x80xi32, #tpu.memory_space<vmem>> -> memref<1x80xi32, #tpu.memory_space<vmem>>
    %dma_start3A_33 = tpu.memref_squeeze %dma_start3A_32 : memref<1x80xi32, #tpu.memory_space<vmem>> -> memref<80xi32, #tpu.memory_space<vmem>>
    %dma_start3A_34 = arith.constant 0 : i32
    %dma_start3A_35 = arith.constant 0 : i32
    %dma_start3A_36 = tpu.memref_slice %arg5[%dma_start3A_34, %dma_start3A_35] : memref<25600x128xf32, #tpu.memory_space<hbm>> -> memref<25600x128xf32, #tpu.memory_space<hbm>>
    tpu.enqueue_indirect_dma source(%dma_start3A_36 : memref<25600x128xf32, #tpu.memory_space<hbm>>) target(%dma_start3A_30 : memref<80x128xf32, #tpu.memory_space<vmem>>) offsets(%dma_start3A_33 : memref<80xi32, #tpu.memory_space<vmem>>) semaphore(%arg12 : memref<!tpu.dma_semaphore, #tpu.memory_space<semaphore_mem>>)
    %dma_start3A_37 = arith.constant 3 : i32
    %dma_start3A_38 = arith.constant 240 : i32
    %dma_start3A_39 = arith.constant 0 : i32
    %dma_start3A_40 = tpu.memref_slice %arg11[%dma_start3A_38, %dma_start3A_39] : memref<320x128xf32, #tpu.memory_space<vmem>> -> memref<80x128xf32, #tpu.memory_space<vmem>>
    %dma_start3A_41 = arith.constant 0 : i32
    %dma_start3A_42 = tpu.memref_slice %arg9[%dma_start3A_37, %dma_start3A_41] : memref<4x80xi32, #tpu.memory_space<vmem>> -> memref<1x80xi32, #tpu.memory_space<vmem>>
    %dma_start3A_43 = tpu.memref_squeeze %dma_start3A_42 : memref<1x80xi32, #tpu.memory_space<vmem>> -> memref<80xi32, #tpu.memory_space<vmem>>
    %dma_start3A_44 = arith.constant 0 : i32
    %dma_start3A_45 = arith.constant 0 : i32
    %dma_start3A_46 = tpu.memref_slice %arg5[%dma_start3A_44, %dma_start3A_45] : memref<25600x128xf32, #tpu.memory_space<hbm>> -> memref<25600x128xf32, #tpu.memory_space<hbm>>
    tpu.enqueue_indirect_dma source(%dma_start3A_46 : memref<25600x128xf32, #tpu.memory_space<hbm>>) target(%dma_start3A_40 : memref<80x128xf32, #tpu.memory_space<vmem>>) offsets(%dma_start3A_43 : memref<80xi32, #tpu.memory_space<vmem>>) semaphore(%arg12 : memref<!tpu.dma_semaphore, #tpu.memory_space<semaphore_mem>>)
    %dma_wait3A = arith.constant 0 : i32
    %dma_wait3A_47 = arith.constant 0 : i32
    %dma_wait3A_48 = tpu.memref_slice %arg4[%dma_wait3A, %dma_wait3A_47] : memref<5120x128xf32, #tpu.memory_space<hbm>> -> memref<5120x128xf32, #tpu.memory_space<hbm>>
    tpu.wait_indirect_dma semaphore(%arg12 : memref<!tpu.dma_semaphore, #tpu.memory_space<semaphore_mem>>) src(%dma_wait3A_48 : memref<5120x128xf32, #tpu.memory_space<hbm>>) dst(%arg10 : memref<32x128xf32, #tpu.memory_space<vmem>>)
    %dma_wait3A_49 = arith.constant 0 : i32
    %dma_wait3A_50 = arith.constant 0 : i32
    %dma_wait3A_51 = arith.constant 0 : i32
    %dma_wait3A_52 = tpu.memref_slice %arg11[%dma_wait3A_50, %dma_wait3A_51] : memref<320x128xf32, #tpu.memory_space<vmem>> -> memref<80x128xf32, #tpu.memory_space<vmem>>
    %dma_wait3A_53 = arith.constant 0 : i32
    %dma_wait3A_54 = tpu.memref_slice %arg9[%dma_wait3A_49, %dma_wait3A_53] : memref<4x80xi32, #tpu.memory_space<vmem>> -> memref<1x80xi32, #tpu.memory_space<vmem>>
    %dma_wait3A_55 = tpu.memref_squeeze %dma_wait3A_54 : memref<1x80xi32, #tpu.memory_space<vmem>> -> memref<80xi32, #tpu.memory_space<vmem>>
    %dma_wait3A_56 = arith.constant 0 : i32
    %dma_wait3A_57 = arith.constant 0 : i32
    %dma_wait3A_58 = tpu.memref_slice %arg5[%dma_wait3A_56, %dma_wait3A_57] : memref<25600x128xf32, #tpu.memory_space<hbm>> -> memref<25600x128xf32, #tpu.memory_space<hbm>>
    tpu.wait_indirect_dma semaphore(%arg12 : memref<!tpu.dma_semaphore, #tpu.memory_space<semaphore_mem>>) src(%dma_wait3A_58 : memref<25600x128xf32, #tpu.memory_space<hbm>>) dst(%dma_wait3A_52 : memref<80x128xf32, #tpu.memory_space<vmem>>)
    %dma_wait3A_59 = arith.constant 1 : i32
    %dma_wait3A_60 = arith.constant 80 : i32
    %dma_wait3A_61 = arith.constant 0 : i32
    %dma_wait3A_62 = tpu.memref_slice %arg11[%dma_wait3A_60, %dma_wait3A_61] : memref<320x128xf32, #tpu.memory_space<vmem>> -> memref<80x128xf32, #tpu.memory_space<vmem>>
    %dma_wait3A_63 = arith.constant 0 : i32
    %dma_wait3A_64 = tpu.memref_slice %arg9[%dma_wait3A_59, %dma_wait3A_63] : memref<4x80xi32, #tpu.memory_space<vmem>> -> memref<1x80xi32, #tpu.memory_space<vmem>>
    %dma_wait3A_65 = tpu.memref_squeeze %dma_wait3A_64 : memref<1x80xi32, #tpu.memory_space<vmem>> -> memref<80xi32, #tpu.memory_space<vmem>>
    %dma_wait3A_66 = arith.constant 0 : i32
    %dma_wait3A_67 = arith.constant 0 : i32
    %dma_wait3A_68 = tpu.memref_slice %arg5[%dma_wait3A_66, %dma_wait3A_67] : memref<25600x128xf32, #tpu.memory_space<hbm>> -> memref<25600x128xf32, #tpu.memory_space<hbm>>
    tpu.wait_indirect_dma semaphore(%arg12 : memref<!tpu.dma_semaphore, #tpu.memory_space<semaphore_mem>>) src(%dma_wait3A_68 : memref<25600x128xf32, #tpu.memory_space<hbm>>) dst(%dma_wait3A_62 : memref<80x128xf32, #tpu.memory_space<vmem>>)
    %dma_wait3A_69 = arith.constant 2 : i32
    %dma_wait3A_70 = arith.constant 160 : i32
    %dma_wait3A_71 = arith.constant 0 : i32
    %dma_wait3A_72 = tpu.memref_slice %arg11[%dma_wait3A_70, %dma_wait3A_71] : memref<320x128xf32, #tpu.memory_space<vmem>> -> memref<80x128xf32, #tpu.memory_space<vmem>>
    %dma_wait3A_73 = arith.constant 0 : i32
    %dma_wait3A_74 = tpu.memref_slice %arg9[%dma_wait3A_69, %dma_wait3A_73] : memref<4x80xi32, #tpu.memory_space<vmem>> -> memref<1x80xi32, #tpu.memory_space<vmem>>
    %dma_wait3A_75 = tpu.memref_squeeze %dma_wait3A_74 : memref<1x80xi32, #tpu.memory_space<vmem>> -> memref<80xi32, #tpu.memory_space<vmem>>
    %dma_wait3A_76 = arith.constant 0 : i32
    %dma_wait3A_77 = arith.constant 0 : i32
    %dma_wait3A_78 = tpu.memref_slice %arg5[%dma_wait3A_76, %dma_wait3A_77] : memref<25600x128xf32, #tpu.memory_space<hbm>> -> memref<25600x128xf32, #tpu.memory_space<hbm>>
    tpu.wait_indirect_dma semaphore(%arg12 : memref<!tpu.dma_semaphore, #tpu.memory_space<semaphore_mem>>) src(%dma_wait3A_78 : memref<25600x128xf32, #tpu.memory_space<hbm>>) dst(%dma_wait3A_72 : memref<80x128xf32, #tpu.memory_space<vmem>>)
    %dma_wait3A_79 = arith.constant 3 : i32
    %dma_wait3A_80 = arith.constant 240 : i32
    %dma_wait3A_81 = arith.constant 0 : i32
    %dma_wait3A_82 = tpu.memref_slice %arg11[%dma_wait3A_80, %dma_wait3A_81] : memref<320x128xf32, #tpu.memory_space<vmem>> -> memref<80x128xf32, #tpu.memory_space<vmem>>
    %dma_wait3A_83 = arith.constant 0 : i32
    %dma_wait3A_84 = tpu.memref_slice %arg9[%dma_wait3A_79, %dma_wait3A_83] : memref<4x80xi32, #tpu.memory_space<vmem>> -> memref<1x80xi32, #tpu.memory_space<vmem>>
    %dma_wait3A_85 = tpu.memref_squeeze %dma_wait3A_84 : memref<1x80xi32, #tpu.memory_space<vmem>> -> memref<80xi32, #tpu.memory_space<vmem>>
    %dma_wait3A_86 = arith.constant 0 : i32
    %dma_wait3A_87 = arith.constant 0 : i32
    %dma_wait3A_88 = tpu.memref_slice %arg5[%dma_wait3A_86, %dma_wait3A_87] : memref<25600x128xf32, #tpu.memory_space<hbm>> -> memref<25600x128xf32, #tpu.memory_space<hbm>>
    tpu.wait_indirect_dma semaphore(%arg12 : memref<!tpu.dma_semaphore, #tpu.memory_space<semaphore_mem>>) src(%dma_wait3A_88 : memref<25600x128xf32, #tpu.memory_space<hbm>>) dst(%dma_wait3A_82 : memref<80x128xf32, #tpu.memory_space<vmem>>)
    %mul3A_89 = arith.constant 32 : i32
    %mul3A_90 = arith.muli %add3A, %mul3A_89 : i32
    "tpu.region"() ({
      %run_scoped3A = tpu.sem_alloc : memref<!tpu.dma_semaphore, #tpu.memory_space<semaphore_mem>>
      %dma_start3A_93 = arith.constant 0 : i32
      %dma_start3A_94 = tpu.memref_slice %arg6[%mul3A_90, %dma_start3A_93] : memref<1024x128xf32, #tpu.memory_space<hbm>> -> memref<32x128xf32, #tpu.memory_space<hbm>>
      %dma_start3A_95 = arith.constant 0 : i32
      %dma_start3A_96 = tpu.memref_slice %arg6[%mul3A_90, %dma_start3A_95] : memref<1024x128xf32, #tpu.memory_space<hbm>> -> memref<32x128xf32, #tpu.memory_space<hbm>>
      tpu.enqueue_dma source(%arg10 : memref<32x128xf32, #tpu.memory_space<vmem>>) target(%dma_start3A_96 : memref<32x128xf32, #tpu.memory_space<hbm>>) target_semaphore(%run_scoped3A : memref<!tpu.dma_semaphore, #tpu.memory_space<semaphore_mem>>)
      %dma_wait3A_97 = arith.constant 0 : i32
      %dma_wait3A_98 = tpu.memref_slice %arg6[%mul3A_90, %dma_wait3A_97] : memref<1024x128xf32, #tpu.memory_space<hbm>> -> memref<32x128xf32, #tpu.memory_space<hbm>>
      %dma_wait3A_99 = arith.constant 0 : i32
      %dma_wait3A_100 = tpu.memref_slice %arg6[%mul3A_90, %dma_wait3A_99] : memref<1024x128xf32, #tpu.memory_space<hbm>> -> memref<32x128xf32, #tpu.memory_space<hbm>>
      tpu.wait_dma2 semaphore(%run_scoped3A : memref<!tpu.dma_semaphore, #tpu.memory_space<semaphore_mem>>) src(%arg10 : memref<32x128xf32, #tpu.memory_space<vmem>>) dst(%dma_wait3A_100 : memref<32x128xf32, #tpu.memory_space<hbm>>)
      tpu.yield
    }) : () -> ()
    %mul3A_91 = arith.constant 320 : i32
    %mul3A_92 = arith.muli %add3A, %mul3A_91 : i32
    "tpu.region"() ({
      %run_scoped3A = tpu.sem_alloc : memref<!tpu.dma_semaphore, #tpu.memory_space<semaphore_mem>>
      %dma_start3A_93 = arith.constant 0 : i32
      %dma_start3A_94 = tpu.memref_slice %arg7[%mul3A_92, %dma_start3A_93] : memref<10240x128xf32, #tpu.memory_space<hbm>> -> memref<320x128xf32, #tpu.memory_space<hbm>>
      %dma_start3A_95 = arith.constant 0 : i32
      %dma_start3A_96 = tpu.memref_slice %arg7[%mul3A_92, %dma_start3A_95] : memref<10240x128xf32, #tpu.memory_space<hbm>> -> memref<320x128xf32, #tpu.memory_space<hbm>>
      tpu.enqueue_dma source(%arg11 : memref<320x128xf32, #tpu.memory_space<vmem>>) target(%dma_start3A_96 : memref<320x128xf32, #tpu.memory_space<hbm>>) target_semaphore(%run_scoped3A : memref<!tpu.dma_semaphore, #tpu.memory_space<semaphore_mem>>)
      %dma_wait3A_97 = arith.constant 0 : i32
      %dma_wait3A_98 = tpu.memref_slice %arg7[%mul3A_92, %dma_wait3A_97] : memref<10240x128xf32, #tpu.memory_space<hbm>> -> memref<320x128xf32, #tpu.memory_space<hbm>>
      %dma_wait3A_99 = arith.constant 0 : i32
      %dma_wait3A_100 = tpu.memref_slice %arg7[%mul3A_92, %dma_wait3A_99] : memref<10240x128xf32, #tpu.memory_space<hbm>> -> memref<320x128xf32, #tpu.memory_space<hbm>>
      tpu.wait_dma2 semaphore(%run_scoped3A : memref<!tpu.dma_semaphore, #tpu.memory_space<semaphore_mem>>) src(%arg11 : memref<320x128xf32, #tpu.memory_space<vmem>>) dst(%dma_wait3A_100 : memref<320x128xf32, #tpu.memory_space<hbm>>)
      tpu.yield
    }) : () -> ()
    return
  }
}

module attributes {stable_mosaic.version = 14 : i64} {
  func.func @_compact_body(%arg0: i32, %arg1: memref<32x20480xf32, #tpu.memory_space<vmem>>, %arg2: memref<5120x128xf32, #tpu.memory_space<vmem>>) attributes {dimension_semantics = [#tpu.dimension_semantics<arbitrary>], iteration_bounds = array<i64: 5>, scalar_prefetch = 0 : i64, scratch_operands = 0 : i64, tpu.core_type = #tpu.core_type<tc>, window_params = [{transform_indices = @transform_0, window_bounds = array<i64: 32, 20480>}, {transform_indices = @transform_1, window_bounds = array<i64: 5120, 128>}]} {
    %get3A = arith.constant 0 : index
    %get3A_0 = arith.constant 0 : index
    %get3A_1 = vector.load %arg1[%get3A, %get3A_0] : memref<32x20480xf32, #tpu.memory_space<vmem>>, vector<32x20480xf32>
    %slice3A = vector.extract_strided_slice %get3A_1 {offsets = [0, 0], sizes = [32, 128], strides = [1, 1]} : vector<32x20480xf32> to vector<32x128xf32>
    %slice3A_2 = vector.extract_strided_slice %get3A_1 {offsets = [0, 128], sizes = [32, 128], strides = [1, 1]} : vector<32x20480xf32> to vector<32x128xf32>
    %slice3A_3 = vector.extract_strided_slice %get3A_1 {offsets = [0, 256], sizes = [32, 128], strides = [1, 1]} : vector<32x20480xf32> to vector<32x128xf32>
    %slice3A_4 = vector.extract_strided_slice %get3A_1 {offsets = [0, 384], sizes = [32, 128], strides = [1, 1]} : vector<32x20480xf32> to vector<32x128xf32>
    %concatenate3A = tpu.concatenate %slice3A, %slice3A_2, %slice3A_3, %slice3A_4 in 0 : vector<32x128xf32>, vector<32x128xf32>, vector<32x128xf32>, vector<32x128xf32> -> vector<128x128xf32>
    %transpose3A = tpu.transpose %concatenate3A, [1, 0] : vector<128x128xf32> -> vector<128x128xf32>
    %slice3A_5 = vector.extract_strided_slice %get3A_1 {offsets = [0, 512], sizes = [32, 128], strides = [1, 1]} : vector<32x20480xf32> to vector<32x128xf32>
    %slice3A_6 = vector.extract_strided_slice %get3A_1 {offsets = [0, 640], sizes = [32, 128], strides = [1, 1]} : vector<32x20480xf32> to vector<32x128xf32>
    %slice3A_7 = vector.extract_strided_slice %get3A_1 {offsets = [0, 768], sizes = [32, 128], strides = [1, 1]} : vector<32x20480xf32> to vector<32x128xf32>
    %slice3A_8 = vector.extract_strided_slice %get3A_1 {offsets = [0, 896], sizes = [32, 128], strides = [1, 1]} : vector<32x20480xf32> to vector<32x128xf32>
    %concatenate3A_9 = tpu.concatenate %slice3A_5, %slice3A_6, %slice3A_7, %slice3A_8 in 0 : vector<32x128xf32>, vector<32x128xf32>, vector<32x128xf32>, vector<32x128xf32> -> vector<128x128xf32>
    %transpose3A_10 = tpu.transpose %concatenate3A_9, [1, 0] : vector<128x128xf32> -> vector<128x128xf32>
    %slice3A_11 = vector.extract_strided_slice %get3A_1 {offsets = [0, 1024], sizes = [32, 128], strides = [1, 1]} : vector<32x20480xf32> to vector<32x128xf32>
    %slice3A_12 = vector.extract_strided_slice %get3A_1 {offsets = [0, 1152], sizes = [32, 128], strides = [1, 1]} : vector<32x20480xf32> to vector<32x128xf32>
    %slice3A_13 = vector.extract_strided_slice %get3A_1 {offsets = [0, 1280], sizes = [32, 128], strides = [1, 1]} : vector<32x20480xf32> to vector<32x128xf32>
    %slice3A_14 = vector.extract_strided_slice %get3A_1 {offsets = [0, 1408], sizes = [32, 128], strides = [1, 1]} : vector<32x20480xf32> to vector<32x128xf32>
    %concatenate3A_15 = tpu.concatenate %slice3A_11, %slice3A_12, %slice3A_13, %slice3A_14 in 0 : vector<32x128xf32>, vector<32x128xf32>, vector<32x128xf32>, vector<32x128xf32> -> vector<128x128xf32>
    %transpose3A_16 = tpu.transpose %concatenate3A_15, [1, 0] : vector<128x128xf32> -> vector<128x128xf32>
    %slice3A_17 = vector.extract_strided_slice %get3A_1 {offsets = [0, 1536], sizes = [32, 128], strides = [1, 1]} : vector<32x20480xf32> to vector<32x128xf32>
    %slice3A_18 = vector.extract_strided_slice %get3A_1 {offsets = [0, 1664], sizes = [32, 128], strides = [1, 1]} : vector<32x20480xf32> to vector<32x128xf32>
    %slice3A_19 = vector.extract_strided_slice %get3A_1 {offsets = [0, 1792], sizes = [32, 128], strides = [1, 1]} : vector<32x20480xf32> to vector<32x128xf32>
    %slice3A_20 = vector.extract_strided_slice %get3A_1 {offsets = [0, 1920], sizes = [32, 128], strides = [1, 1]} : vector<32x20480xf32> to vector<32x128xf32>
    %concatenate3A_21 = tpu.concatenate %slice3A_17, %slice3A_18, %slice3A_19, %slice3A_20 in 0 : vector<32x128xf32>, vector<32x128xf32>, vector<32x128xf32>, vector<32x128xf32> -> vector<128x128xf32>
    %transpose3A_22 = tpu.transpose %concatenate3A_21, [1, 0] : vector<128x128xf32> -> vector<128x128xf32>
    %slice3A_23 = vector.extract_strided_slice %get3A_1 {offsets = [0, 2048], sizes = [32, 128], strides = [1, 1]} : vector<32x20480xf32> to vector<32x128xf32>
    %slice3A_24 = vector.extract_strided_slice %get3A_1 {offsets = [0, 2176], sizes = [32, 128], strides = [1, 1]} : vector<32x20480xf32> to vector<32x128xf32>
    %slice3A_25 = vector.extract_strided_slice %get3A_1 {offsets = [0, 2304], sizes = [32, 128], strides = [1, 1]} : vector<32x20480xf32> to vector<32x128xf32>
    %slice3A_26 = vector.extract_strided_slice %get3A_1 {offsets = [0, 2432], sizes = [32, 128], strides = [1, 1]} : vector<32x20480xf32> to vector<32x128xf32>
    %concatenate3A_27 = tpu.concatenate %slice3A_23, %slice3A_24, %slice3A_25, %slice3A_26 in 0 : vector<32x128xf32>, vector<32x128xf32>, vector<32x128xf32>, vector<32x128xf32> -> vector<128x128xf32>
    %transpose3A_28 = tpu.transpose %concatenate3A_27, [1, 0] : vector<128x128xf32> -> vector<128x128xf32>
    %slice3A_29 = vector.extract_strided_slice %get3A_1 {offsets = [0, 2560], sizes = [32, 128], strides = [1, 1]} : vector<32x20480xf32> to vector<32x128xf32>
    %slice3A_30 = vector.extract_strided_slice %get3A_1 {offsets = [0, 2688], sizes = [32, 128], strides = [1, 1]} : vector<32x20480xf32> to vector<32x128xf32>
    %slice3A_31 = vector.extract_strided_slice %get3A_1 {offsets = [0, 2816], sizes = [32, 128], strides = [1, 1]} : vector<32x20480xf32> to vector<32x128xf32>
    %slice3A_32 = vector.extract_strided_slice %get3A_1 {offsets = [0, 2944], sizes = [32, 128], strides = [1, 1]} : vector<32x20480xf32> to vector<32x128xf32>
    %concatenate3A_33 = tpu.concatenate %slice3A_29, %slice3A_30, %slice3A_31, %slice3A_32 in 0 : vector<32x128xf32>, vector<32x128xf32>, vector<32x128xf32>, vector<32x128xf32> -> vector<128x128xf32>
    %transpose3A_34 = tpu.transpose %concatenate3A_33, [1, 0] : vector<128x128xf32> -> vector<128x128xf32>
    %slice3A_35 = vector.extract_strided_slice %get3A_1 {offsets = [0, 3072], sizes = [32, 128], strides = [1, 1]} : vector<32x20480xf32> to vector<32x128xf32>
    %slice3A_36 = vector.extract_strided_slice %get3A_1 {offsets = [0, 3200], sizes = [32, 128], strides = [1, 1]} : vector<32x20480xf32> to vector<32x128xf32>
    %slice3A_37 = vector.extract_strided_slice %get3A_1 {offsets = [0, 3328], sizes = [32, 128], strides = [1, 1]} : vector<32x20480xf32> to vector<32x128xf32>
    %slice3A_38 = vector.extract_strided_slice %get3A_1 {offsets = [0, 3456], sizes = [32, 128], strides = [1, 1]} : vector<32x20480xf32> to vector<32x128xf32>
    %concatenate3A_39 = tpu.concatenate %slice3A_35, %slice3A_36, %slice3A_37, %slice3A_38 in 0 : vector<32x128xf32>, vector<32x128xf32>, vector<32x128xf32>, vector<32x128xf32> -> vector<128x128xf32>
    %transpose3A_40 = tpu.transpose %concatenate3A_39, [1, 0] : vector<128x128xf32> -> vector<128x128xf32>
    %slice3A_41 = vector.extract_strided_slice %get3A_1 {offsets = [0, 3584], sizes = [32, 128], strides = [1, 1]} : vector<32x20480xf32> to vector<32x128xf32>
    %slice3A_42 = vector.extract_strided_slice %get3A_1 {offsets = [0, 3712], sizes = [32, 128], strides = [1, 1]} : vector<32x20480xf32> to vector<32x128xf32>
    %slice3A_43 = vector.extract_strided_slice %get3A_1 {offsets = [0, 3840], sizes = [32, 128], strides = [1, 1]} : vector<32x20480xf32> to vector<32x128xf32>
    %slice3A_44 = vector.extract_strided_slice %get3A_1 {offsets = [0, 3968], sizes = [32, 128], strides = [1, 1]} : vector<32x20480xf32> to vector<32x128xf32>
    %concatenate3A_45 = tpu.concatenate %slice3A_41, %slice3A_42, %slice3A_43, %slice3A_44 in 0 : vector<32x128xf32>, vector<32x128xf32>, vector<32x128xf32>, vector<32x128xf32> -> vector<128x128xf32>
    %transpose3A_46 = tpu.transpose %concatenate3A_45, [1, 0] : vector<128x128xf32> -> vector<128x128xf32>
    %slice3A_47 = vector.extract_strided_slice %get3A_1 {offsets = [0, 4096], sizes = [32, 128], strides = [1, 1]} : vector<32x20480xf32> to vector<32x128xf32>
    %slice3A_48 = vector.extract_strided_slice %get3A_1 {offsets = [0, 4224], sizes = [32, 128], strides = [1, 1]} : vector<32x20480xf32> to vector<32x128xf32>
    %slice3A_49 = vector.extract_strided_slice %get3A_1 {offsets = [0, 4352], sizes = [32, 128], strides = [1, 1]} : vector<32x20480xf32> to vector<32x128xf32>
    %slice3A_50 = vector.extract_strided_slice %get3A_1 {offsets = [0, 4480], sizes = [32, 128], strides = [1, 1]} : vector<32x20480xf32> to vector<32x128xf32>
    %concatenate3A_51 = tpu.concatenate %slice3A_47, %slice3A_48, %slice3A_49, %slice3A_50 in 0 : vector<32x128xf32>, vector<32x128xf32>, vector<32x128xf32>, vector<32x128xf32> -> vector<128x128xf32>
    %transpose3A_52 = tpu.transpose %concatenate3A_51, [1, 0] : vector<128x128xf32> -> vector<128x128xf32>
    %slice3A_53 = vector.extract_strided_slice %get3A_1 {offsets = [0, 4608], sizes = [32, 128], strides = [1, 1]} : vector<32x20480xf32> to vector<32x128xf32>
    %slice3A_54 = vector.extract_strided_slice %get3A_1 {offsets = [0, 4736], sizes = [32, 128], strides = [1, 1]} : vector<32x20480xf32> to vector<32x128xf32>
    %slice3A_55 = vector.extract_strided_slice %get3A_1 {offsets = [0, 4864], sizes = [32, 128], strides = [1, 1]} : vector<32x20480xf32> to vector<32x128xf32>
    %slice3A_56 = vector.extract_strided_slice %get3A_1 {offsets = [0, 4992], sizes = [32, 128], strides = [1, 1]} : vector<32x20480xf32> to vector<32x128xf32>
    %concatenate3A_57 = tpu.concatenate %slice3A_53, %slice3A_54, %slice3A_55, %slice3A_56 in 0 : vector<32x128xf32>, vector<32x128xf32>, vector<32x128xf32>, vector<32x128xf32> -> vector<128x128xf32>
    %transpose3A_58 = tpu.transpose %concatenate3A_57, [1, 0] : vector<128x128xf32> -> vector<128x128xf32>
    %slice3A_59 = vector.extract_strided_slice %get3A_1 {offsets = [0, 5120], sizes = [32, 128], strides = [1, 1]} : vector<32x20480xf32> to vector<32x128xf32>
    %slice3A_60 = vector.extract_strided_slice %get3A_1 {offsets = [0, 5248], sizes = [32, 128], strides = [1, 1]} : vector<32x20480xf32> to vector<32x128xf32>
    %slice3A_61 = vector.extract_strided_slice %get3A_1 {offsets = [0, 5376], sizes = [32, 128], strides = [1, 1]} : vector<32x20480xf32> to vector<32x128xf32>
    %slice3A_62 = vector.extract_strided_slice %get3A_1 {offsets = [0, 5504], sizes = [32, 128], strides = [1, 1]} : vector<32x20480xf32> to vector<32x128xf32>
    %concatenate3A_63 = tpu.concatenate %slice3A_59, %slice3A_60, %slice3A_61, %slice3A_62 in 0 : vector<32x128xf32>, vector<32x128xf32>, vector<32x128xf32>, vector<32x128xf32> -> vector<128x128xf32>
    %transpose3A_64 = tpu.transpose %concatenate3A_63, [1, 0] : vector<128x128xf32> -> vector<128x128xf32>
    %slice3A_65 = vector.extract_strided_slice %get3A_1 {offsets = [0, 5632], sizes = [32, 128], strides = [1, 1]} : vector<32x20480xf32> to vector<32x128xf32>
    %slice3A_66 = vector.extract_strided_slice %get3A_1 {offsets = [0, 5760], sizes = [32, 128], strides = [1, 1]} : vector<32x20480xf32> to vector<32x128xf32>
    %slice3A_67 = vector.extract_strided_slice %get3A_1 {offsets = [0, 5888], sizes = [32, 128], strides = [1, 1]} : vector<32x20480xf32> to vector<32x128xf32>
    %slice3A_68 = vector.extract_strided_slice %get3A_1 {offsets = [0, 6016], sizes = [32, 128], strides = [1, 1]} : vector<32x20480xf32> to vector<32x128xf32>
    %concatenate3A_69 = tpu.concatenate %slice3A_65, %slice3A_66, %slice3A_67, %slice3A_68 in 0 : vector<32x128xf32>, vector<32x128xf32>, vector<32x128xf32>, vector<32x128xf32> -> vector<128x128xf32>
    %transpose3A_70 = tpu.transpose %concatenate3A_69, [1, 0] : vector<128x128xf32> -> vector<128x128xf32>
    %slice3A_71 = vector.extract_strided_slice %get3A_1 {offsets = [0, 6144], sizes = [32, 128], strides = [1, 1]} : vector<32x20480xf32> to vector<32x128xf32>
    %slice3A_72 = vector.extract_strided_slice %get3A_1 {offsets = [0, 6272], sizes = [32, 128], strides = [1, 1]} : vector<32x20480xf32> to vector<32x128xf32>
    %slice3A_73 = vector.extract_strided_slice %get3A_1 {offsets = [0, 6400], sizes = [32, 128], strides = [1, 1]} : vector<32x20480xf32> to vector<32x128xf32>
    %slice3A_74 = vector.extract_strided_slice %get3A_1 {offsets = [0, 6528], sizes = [32, 128], strides = [1, 1]} : vector<32x20480xf32> to vector<32x128xf32>
    %concatenate3A_75 = tpu.concatenate %slice3A_71, %slice3A_72, %slice3A_73, %slice3A_74 in 0 : vector<32x128xf32>, vector<32x128xf32>, vector<32x128xf32>, vector<32x128xf32> -> vector<128x128xf32>
    %transpose3A_76 = tpu.transpose %concatenate3A_75, [1, 0] : vector<128x128xf32> -> vector<128x128xf32>
    %slice3A_77 = vector.extract_strided_slice %get3A_1 {offsets = [0, 6656], sizes = [32, 128], strides = [1, 1]} : vector<32x20480xf32> to vector<32x128xf32>
    %slice3A_78 = vector.extract_strided_slice %get3A_1 {offsets = [0, 6784], sizes = [32, 128], strides = [1, 1]} : vector<32x20480xf32> to vector<32x128xf32>
    %slice3A_79 = vector.extract_strided_slice %get3A_1 {offsets = [0, 6912], sizes = [32, 128], strides = [1, 1]} : vector<32x20480xf32> to vector<32x128xf32>
    %slice3A_80 = vector.extract_strided_slice %get3A_1 {offsets = [0, 7040], sizes = [32, 128], strides = [1, 1]} : vector<32x20480xf32> to vector<32x128xf32>
    %concatenate3A_81 = tpu.concatenate %slice3A_77, %slice3A_78, %slice3A_79, %slice3A_80 in 0 : vector<32x128xf32>, vector<32x128xf32>, vector<32x128xf32>, vector<32x128xf32> -> vector<128x128xf32>
    %transpose3A_82 = tpu.transpose %concatenate3A_81, [1, 0] : vector<128x128xf32> -> vector<128x128xf32>
    %slice3A_83 = vector.extract_strided_slice %get3A_1 {offsets = [0, 7168], sizes = [32, 128], strides = [1, 1]} : vector<32x20480xf32> to vector<32x128xf32>
    %slice3A_84 = vector.extract_strided_slice %get3A_1 {offsets = [0, 7296], sizes = [32, 128], strides = [1, 1]} : vector<32x20480xf32> to vector<32x128xf32>
    %slice3A_85 = vector.extract_strided_slice %get3A_1 {offsets = [0, 7424], sizes = [32, 128], strides = [1, 1]} : vector<32x20480xf32> to vector<32x128xf32>
    %slice3A_86 = vector.extract_strided_slice %get3A_1 {offsets = [0, 7552], sizes = [32, 128], strides = [1, 1]} : vector<32x20480xf32> to vector<32x128xf32>
    %concatenate3A_87 = tpu.concatenate %slice3A_83, %slice3A_84, %slice3A_85, %slice3A_86 in 0 : vector<32x128xf32>, vector<32x128xf32>, vector<32x128xf32>, vector<32x128xf32> -> vector<128x128xf32>
    %transpose3A_88 = tpu.transpose %concatenate3A_87, [1, 0] : vector<128x128xf32> -> vector<128x128xf32>
    %slice3A_89 = vector.extract_strided_slice %get3A_1 {offsets = [0, 7680], sizes = [32, 128], strides = [1, 1]} : vector<32x20480xf32> to vector<32x128xf32>
    %slice3A_90 = vector.extract_strided_slice %get3A_1 {offsets = [0, 7808], sizes = [32, 128], strides = [1, 1]} : vector<32x20480xf32> to vector<32x128xf32>
    %slice3A_91 = vector.extract_strided_slice %get3A_1 {offsets = [0, 7936], sizes = [32, 128], strides = [1, 1]} : vector<32x20480xf32> to vector<32x128xf32>
    %slice3A_92 = vector.extract_strided_slice %get3A_1 {offsets = [0, 8064], sizes = [32, 128], strides = [1, 1]} : vector<32x20480xf32> to vector<32x128xf32>
    %concatenate3A_93 = tpu.concatenate %slice3A_89, %slice3A_90, %slice3A_91, %slice3A_92 in 0 : vector<32x128xf32>, vector<32x128xf32>, vector<32x128xf32>, vector<32x128xf32> -> vector<128x128xf32>
    %transpose3A_94 = tpu.transpose %concatenate3A_93, [1, 0] : vector<128x128xf32> -> vector<128x128xf32>
    %slice3A_95 = vector.extract_strided_slice %get3A_1 {offsets = [0, 8192], sizes = [32, 128], strides = [1, 1]} : vector<32x20480xf32> to vector<32x128xf32>
    %slice3A_96 = vector.extract_strided_slice %get3A_1 {offsets = [0, 8320], sizes = [32, 128], strides = [1, 1]} : vector<32x20480xf32> to vector<32x128xf32>
    %slice3A_97 = vector.extract_strided_slice %get3A_1 {offsets = [0, 8448], sizes = [32, 128], strides = [1, 1]} : vector<32x20480xf32> to vector<32x128xf32>
    %slice3A_98 = vector.extract_strided_slice %get3A_1 {offsets = [0, 8576], sizes = [32, 128], strides = [1, 1]} : vector<32x20480xf32> to vector<32x128xf32>
    %concatenate3A_99 = tpu.concatenate %slice3A_95, %slice3A_96, %slice3A_97, %slice3A_98 in 0 : vector<32x128xf32>, vector<32x128xf32>, vector<32x128xf32>, vector<32x128xf32> -> vector<128x128xf32>
    %transpose3A_100 = tpu.transpose %concatenate3A_99, [1, 0] : vector<128x128xf32> -> vector<128x128xf32>
    %slice3A_101 = vector.extract_strided_slice %get3A_1 {offsets = [0, 8704], sizes = [32, 128], strides = [1, 1]} : vector<32x20480xf32> to vector<32x128xf32>
    %slice3A_102 = vector.extract_strided_slice %get3A_1 {offsets = [0, 8832], sizes = [32, 128], strides = [1, 1]} : vector<32x20480xf32> to vector<32x128xf32>
    %slice3A_103 = vector.extract_strided_slice %get3A_1 {offsets = [0, 8960], sizes = [32, 128], strides = [1, 1]} : vector<32x20480xf32> to vector<32x128xf32>
    %slice3A_104 = vector.extract_strided_slice %get3A_1 {offsets = [0, 9088], sizes = [32, 128], strides = [1, 1]} : vector<32x20480xf32> to vector<32x128xf32>
    %concatenate3A_105 = tpu.concatenate %slice3A_101, %slice3A_102, %slice3A_103, %slice3A_104 in 0 : vector<32x128xf32>, vector<32x128xf32>, vector<32x128xf32>, vector<32x128xf32> -> vector<128x128xf32>
    %transpose3A_106 = tpu.transpose %concatenate3A_105, [1, 0] : vector<128x128xf32> -> vector<128x128xf32>
    %slice3A_107 = vector.extract_strided_slice %get3A_1 {offsets = [0, 9216], sizes = [32, 128], strides = [1, 1]} : vector<32x20480xf32> to vector<32x128xf32>
    %slice3A_108 = vector.extract_strided_slice %get3A_1 {offsets = [0, 9344], sizes = [32, 128], strides = [1, 1]} : vector<32x20480xf32> to vector<32x128xf32>
    %slice3A_109 = vector.extract_strided_slice %get3A_1 {offsets = [0, 9472], sizes = [32, 128], strides = [1, 1]} : vector<32x20480xf32> to vector<32x128xf32>
    %slice3A_110 = vector.extract_strided_slice %get3A_1 {offsets = [0, 9600], sizes = [32, 128], strides = [1, 1]} : vector<32x20480xf32> to vector<32x128xf32>
    %concatenate3A_111 = tpu.concatenate %slice3A_107, %slice3A_108, %slice3A_109, %slice3A_110 in 0 : vector<32x128xf32>, vector<32x128xf32>, vector<32x128xf32>, vector<32x128xf32> -> vector<128x128xf32>
    %transpose3A_112 = tpu.transpose %concatenate3A_111, [1, 0] : vector<128x128xf32> -> vector<128x128xf32>
    %slice3A_113 = vector.extract_strided_slice %get3A_1 {offsets = [0, 9728], sizes = [32, 128], strides = [1, 1]} : vector<32x20480xf32> to vector<32x128xf32>
    %slice3A_114 = vector.extract_strided_slice %get3A_1 {offsets = [0, 9856], sizes = [32, 128], strides = [1, 1]} : vector<32x20480xf32> to vector<32x128xf32>
    %slice3A_115 = vector.extract_strided_slice %get3A_1 {offsets = [0, 9984], sizes = [32, 128], strides = [1, 1]} : vector<32x20480xf32> to vector<32x128xf32>
    %slice3A_116 = vector.extract_strided_slice %get3A_1 {offsets = [0, 10112], sizes = [32, 128], strides = [1, 1]} : vector<32x20480xf32> to vector<32x128xf32>
    %concatenate3A_117 = tpu.concatenate %slice3A_113, %slice3A_114, %slice3A_115, %slice3A_116 in 0 : vector<32x128xf32>, vector<32x128xf32>, vector<32x128xf32>, vector<32x128xf32> -> vector<128x128xf32>
    %transpose3A_118 = tpu.transpose %concatenate3A_117, [1, 0] : vector<128x128xf32> -> vector<128x128xf32>
    %slice3A_119 = vector.extract_strided_slice %get3A_1 {offsets = [0, 10240], sizes = [32, 128], strides = [1, 1]} : vector<32x20480xf32> to vector<32x128xf32>
    %slice3A_120 = vector.extract_strided_slice %get3A_1 {offsets = [0, 10368], sizes = [32, 128], strides = [1, 1]} : vector<32x20480xf32> to vector<32x128xf32>
    %slice3A_121 = vector.extract_strided_slice %get3A_1 {offsets = [0, 10496], sizes = [32, 128], strides = [1, 1]} : vector<32x20480xf32> to vector<32x128xf32>
    %slice3A_122 = vector.extract_strided_slice %get3A_1 {offsets = [0, 10624], sizes = [32, 128], strides = [1, 1]} : vector<32x20480xf32> to vector<32x128xf32>
    %concatenate3A_123 = tpu.concatenate %slice3A_119, %slice3A_120, %slice3A_121, %slice3A_122 in 0 : vector<32x128xf32>, vector<32x128xf32>, vector<32x128xf32>, vector<32x128xf32> -> vector<128x128xf32>
    %transpose3A_124 = tpu.transpose %concatenate3A_123, [1, 0] : vector<128x128xf32> -> vector<128x128xf32>
    %slice3A_125 = vector.extract_strided_slice %get3A_1 {offsets = [0, 10752], sizes = [32, 128], strides = [1, 1]} : vector<32x20480xf32> to vector<32x128xf32>
    %slice3A_126 = vector.extract_strided_slice %get3A_1 {offsets = [0, 10880], sizes = [32, 128], strides = [1, 1]} : vector<32x20480xf32> to vector<32x128xf32>
    %slice3A_127 = vector.extract_strided_slice %get3A_1 {offsets = [0, 11008], sizes = [32, 128], strides = [1, 1]} : vector<32x20480xf32> to vector<32x128xf32>
    %slice3A_128 = vector.extract_strided_slice %get3A_1 {offsets = [0, 11136], sizes = [32, 128], strides = [1, 1]} : vector<32x20480xf32> to vector<32x128xf32>
    %concatenate3A_129 = tpu.concatenate %slice3A_125, %slice3A_126, %slice3A_127, %slice3A_128 in 0 : vector<32x128xf32>, vector<32x128xf32>, vector<32x128xf32>, vector<32x128xf32> -> vector<128x128xf32>
    %transpose3A_130 = tpu.transpose %concatenate3A_129, [1, 0] : vector<128x128xf32> -> vector<128x128xf32>
    %slice3A_131 = vector.extract_strided_slice %get3A_1 {offsets = [0, 11264], sizes = [32, 128], strides = [1, 1]} : vector<32x20480xf32> to vector<32x128xf32>
    %slice3A_132 = vector.extract_strided_slice %get3A_1 {offsets = [0, 11392], sizes = [32, 128], strides = [1, 1]} : vector<32x20480xf32> to vector<32x128xf32>
    %slice3A_133 = vector.extract_strided_slice %get3A_1 {offsets = [0, 11520], sizes = [32, 128], strides = [1, 1]} : vector<32x20480xf32> to vector<32x128xf32>
    %slice3A_134 = vector.extract_strided_slice %get3A_1 {offsets = [0, 11648], sizes = [32, 128], strides = [1, 1]} : vector<32x20480xf32> to vector<32x128xf32>
    %concatenate3A_135 = tpu.concatenate %slice3A_131, %slice3A_132, %slice3A_133, %slice3A_134 in 0 : vector<32x128xf32>, vector<32x128xf32>, vector<32x128xf32>, vector<32x128xf32> -> vector<128x128xf32>
    %transpose3A_136 = tpu.transpose %concatenate3A_135, [1, 0] : vector<128x128xf32> -> vector<128x128xf32>
    %slice3A_137 = vector.extract_strided_slice %get3A_1 {offsets = [0, 11776], sizes = [32, 128], strides = [1, 1]} : vector<32x20480xf32> to vector<32x128xf32>
    %slice3A_138 = vector.extract_strided_slice %get3A_1 {offsets = [0, 11904], sizes = [32, 128], strides = [1, 1]} : vector<32x20480xf32> to vector<32x128xf32>
    %slice3A_139 = vector.extract_strided_slice %get3A_1 {offsets = [0, 12032], sizes = [32, 128], strides = [1, 1]} : vector<32x20480xf32> to vector<32x128xf32>
    %slice3A_140 = vector.extract_strided_slice %get3A_1 {offsets = [0, 12160], sizes = [32, 128], strides = [1, 1]} : vector<32x20480xf32> to vector<32x128xf32>
    %concatenate3A_141 = tpu.concatenate %slice3A_137, %slice3A_138, %slice3A_139, %slice3A_140 in 0 : vector<32x128xf32>, vector<32x128xf32>, vector<32x128xf32>, vector<32x128xf32> -> vector<128x128xf32>
    %transpose3A_142 = tpu.transpose %concatenate3A_141, [1, 0] : vector<128x128xf32> -> vector<128x128xf32>
    %slice3A_143 = vector.extract_strided_slice %get3A_1 {offsets = [0, 12288], sizes = [32, 128], strides = [1, 1]} : vector<32x20480xf32> to vector<32x128xf32>
    %slice3A_144 = vector.extract_strided_slice %get3A_1 {offsets = [0, 12416], sizes = [32, 128], strides = [1, 1]} : vector<32x20480xf32> to vector<32x128xf32>
    %slice3A_145 = vector.extract_strided_slice %get3A_1 {offsets = [0, 12544], sizes = [32, 128], strides = [1, 1]} : vector<32x20480xf32> to vector<32x128xf32>
    %slice3A_146 = vector.extract_strided_slice %get3A_1 {offsets = [0, 12672], sizes = [32, 128], strides = [1, 1]} : vector<32x20480xf32> to vector<32x128xf32>
    %concatenate3A_147 = tpu.concatenate %slice3A_143, %slice3A_144, %slice3A_145, %slice3A_146 in 0 : vector<32x128xf32>, vector<32x128xf32>, vector<32x128xf32>, vector<32x128xf32> -> vector<128x128xf32>
    %transpose3A_148 = tpu.transpose %concatenate3A_147, [1, 0] : vector<128x128xf32> -> vector<128x128xf32>
    %slice3A_149 = vector.extract_strided_slice %get3A_1 {offsets = [0, 12800], sizes = [32, 128], strides = [1, 1]} : vector<32x20480xf32> to vector<32x128xf32>
    %slice3A_150 = vector.extract_strided_slice %get3A_1 {offsets = [0, 12928], sizes = [32, 128], strides = [1, 1]} : vector<32x20480xf32> to vector<32x128xf32>
    %slice3A_151 = vector.extract_strided_slice %get3A_1 {offsets = [0, 13056], sizes = [32, 128], strides = [1, 1]} : vector<32x20480xf32> to vector<32x128xf32>
    %slice3A_152 = vector.extract_strided_slice %get3A_1 {offsets = [0, 13184], sizes = [32, 128], strides = [1, 1]} : vector<32x20480xf32> to vector<32x128xf32>
    %concatenate3A_153 = tpu.concatenate %slice3A_149, %slice3A_150, %slice3A_151, %slice3A_152 in 0 : vector<32x128xf32>, vector<32x128xf32>, vector<32x128xf32>, vector<32x128xf32> -> vector<128x128xf32>
    %transpose3A_154 = tpu.transpose %concatenate3A_153, [1, 0] : vector<128x128xf32> -> vector<128x128xf32>
    %slice3A_155 = vector.extract_strided_slice %get3A_1 {offsets = [0, 13312], sizes = [32, 128], strides = [1, 1]} : vector<32x20480xf32> to vector<32x128xf32>
    %slice3A_156 = vector.extract_strided_slice %get3A_1 {offsets = [0, 13440], sizes = [32, 128], strides = [1, 1]} : vector<32x20480xf32> to vector<32x128xf32>
    %slice3A_157 = vector.extract_strided_slice %get3A_1 {offsets = [0, 13568], sizes = [32, 128], strides = [1, 1]} : vector<32x20480xf32> to vector<32x128xf32>
    %slice3A_158 = vector.extract_strided_slice %get3A_1 {offsets = [0, 13696], sizes = [32, 128], strides = [1, 1]} : vector<32x20480xf32> to vector<32x128xf32>
    %concatenate3A_159 = tpu.concatenate %slice3A_155, %slice3A_156, %slice3A_157, %slice3A_158 in 0 : vector<32x128xf32>, vector<32x128xf32>, vector<32x128xf32>, vector<32x128xf32> -> vector<128x128xf32>
    %transpose3A_160 = tpu.transpose %concatenate3A_159, [1, 0] : vector<128x128xf32> -> vector<128x128xf32>
    %slice3A_161 = vector.extract_strided_slice %get3A_1 {offsets = [0, 13824], sizes = [32, 128], strides = [1, 1]} : vector<32x20480xf32> to vector<32x128xf32>
    %slice3A_162 = vector.extract_strided_slice %get3A_1 {offsets = [0, 13952], sizes = [32, 128], strides = [1, 1]} : vector<32x20480xf32> to vector<32x128xf32>
    %slice3A_163 = vector.extract_strided_slice %get3A_1 {offsets = [0, 14080], sizes = [32, 128], strides = [1, 1]} : vector<32x20480xf32> to vector<32x128xf32>
    %slice3A_164 = vector.extract_strided_slice %get3A_1 {offsets = [0, 14208], sizes = [32, 128], strides = [1, 1]} : vector<32x20480xf32> to vector<32x128xf32>
    %concatenate3A_165 = tpu.concatenate %slice3A_161, %slice3A_162, %slice3A_163, %slice3A_164 in 0 : vector<32x128xf32>, vector<32x128xf32>, vector<32x128xf32>, vector<32x128xf32> -> vector<128x128xf32>
    %transpose3A_166 = tpu.transpose %concatenate3A_165, [1, 0] : vector<128x128xf32> -> vector<128x128xf32>
    %slice3A_167 = vector.extract_strided_slice %get3A_1 {offsets = [0, 14336], sizes = [32, 128], strides = [1, 1]} : vector<32x20480xf32> to vector<32x128xf32>
    %slice3A_168 = vector.extract_strided_slice %get3A_1 {offsets = [0, 14464], sizes = [32, 128], strides = [1, 1]} : vector<32x20480xf32> to vector<32x128xf32>
    %slice3A_169 = vector.extract_strided_slice %get3A_1 {offsets = [0, 14592], sizes = [32, 128], strides = [1, 1]} : vector<32x20480xf32> to vector<32x128xf32>
    %slice3A_170 = vector.extract_strided_slice %get3A_1 {offsets = [0, 14720], sizes = [32, 128], strides = [1, 1]} : vector<32x20480xf32> to vector<32x128xf32>
    %concatenate3A_171 = tpu.concatenate %slice3A_167, %slice3A_168, %slice3A_169, %slice3A_170 in 0 : vector<32x128xf32>, vector<32x128xf32>, vector<32x128xf32>, vector<32x128xf32> -> vector<128x128xf32>
    %transpose3A_172 = tpu.transpose %concatenate3A_171, [1, 0] : vector<128x128xf32> -> vector<128x128xf32>
    %slice3A_173 = vector.extract_strided_slice %get3A_1 {offsets = [0, 14848], sizes = [32, 128], strides = [1, 1]} : vector<32x20480xf32> to vector<32x128xf32>
    %slice3A_174 = vector.extract_strided_slice %get3A_1 {offsets = [0, 14976], sizes = [32, 128], strides = [1, 1]} : vector<32x20480xf32> to vector<32x128xf32>
    %slice3A_175 = vector.extract_strided_slice %get3A_1 {offsets = [0, 15104], sizes = [32, 128], strides = [1, 1]} : vector<32x20480xf32> to vector<32x128xf32>
    %slice3A_176 = vector.extract_strided_slice %get3A_1 {offsets = [0, 15232], sizes = [32, 128], strides = [1, 1]} : vector<32x20480xf32> to vector<32x128xf32>
    %concatenate3A_177 = tpu.concatenate %slice3A_173, %slice3A_174, %slice3A_175, %slice3A_176 in 0 : vector<32x128xf32>, vector<32x128xf32>, vector<32x128xf32>, vector<32x128xf32> -> vector<128x128xf32>
    %transpose3A_178 = tpu.transpose %concatenate3A_177, [1, 0] : vector<128x128xf32> -> vector<128x128xf32>
    %slice3A_179 = vector.extract_strided_slice %get3A_1 {offsets = [0, 15360], sizes = [32, 128], strides = [1, 1]} : vector<32x20480xf32> to vector<32x128xf32>
    %slice3A_180 = vector.extract_strided_slice %get3A_1 {offsets = [0, 15488], sizes = [32, 128], strides = [1, 1]} : vector<32x20480xf32> to vector<32x128xf32>
    %slice3A_181 = vector.extract_strided_slice %get3A_1 {offsets = [0, 15616], sizes = [32, 128], strides = [1, 1]} : vector<32x20480xf32> to vector<32x128xf32>
    %slice3A_182 = vector.extract_strided_slice %get3A_1 {offsets = [0, 15744], sizes = [32, 128], strides = [1, 1]} : vector<32x20480xf32> to vector<32x128xf32>
    %concatenate3A_183 = tpu.concatenate %slice3A_179, %slice3A_180, %slice3A_181, %slice3A_182 in 0 : vector<32x128xf32>, vector<32x128xf32>, vector<32x128xf32>, vector<32x128xf32> -> vector<128x128xf32>
    %transpose3A_184 = tpu.transpose %concatenate3A_183, [1, 0] : vector<128x128xf32> -> vector<128x128xf32>
    %slice3A_185 = vector.extract_strided_slice %get3A_1 {offsets = [0, 15872], sizes = [32, 128], strides = [1, 1]} : vector<32x20480xf32> to vector<32x128xf32>
    %slice3A_186 = vector.extract_strided_slice %get3A_1 {offsets = [0, 16000], sizes = [32, 128], strides = [1, 1]} : vector<32x20480xf32> to vector<32x128xf32>
    %slice3A_187 = vector.extract_strided_slice %get3A_1 {offsets = [0, 16128], sizes = [32, 128], strides = [1, 1]} : vector<32x20480xf32> to vector<32x128xf32>
    %slice3A_188 = vector.extract_strided_slice %get3A_1 {offsets = [0, 16256], sizes = [32, 128], strides = [1, 1]} : vector<32x20480xf32> to vector<32x128xf32>
    %concatenate3A_189 = tpu.concatenate %slice3A_185, %slice3A_186, %slice3A_187, %slice3A_188 in 0 : vector<32x128xf32>, vector<32x128xf32>, vector<32x128xf32>, vector<32x128xf32> -> vector<128x128xf32>
    %transpose3A_190 = tpu.transpose %concatenate3A_189, [1, 0] : vector<128x128xf32> -> vector<128x128xf32>
    %slice3A_191 = vector.extract_strided_slice %get3A_1 {offsets = [0, 16384], sizes = [32, 128], strides = [1, 1]} : vector<32x20480xf32> to vector<32x128xf32>
    %slice3A_192 = vector.extract_strided_slice %get3A_1 {offsets = [0, 16512], sizes = [32, 128], strides = [1, 1]} : vector<32x20480xf32> to vector<32x128xf32>
    %slice3A_193 = vector.extract_strided_slice %get3A_1 {offsets = [0, 16640], sizes = [32, 128], strides = [1, 1]} : vector<32x20480xf32> to vector<32x128xf32>
    %slice3A_194 = vector.extract_strided_slice %get3A_1 {offsets = [0, 16768], sizes = [32, 128], strides = [1, 1]} : vector<32x20480xf32> to vector<32x128xf32>
    %concatenate3A_195 = tpu.concatenate %slice3A_191, %slice3A_192, %slice3A_193, %slice3A_194 in 0 : vector<32x128xf32>, vector<32x128xf32>, vector<32x128xf32>, vector<32x128xf32> -> vector<128x128xf32>
    %transpose3A_196 = tpu.transpose %concatenate3A_195, [1, 0] : vector<128x128xf32> -> vector<128x128xf32>
    %slice3A_197 = vector.extract_strided_slice %get3A_1 {offsets = [0, 16896], sizes = [32, 128], strides = [1, 1]} : vector<32x20480xf32> to vector<32x128xf32>
    %slice3A_198 = vector.extract_strided_slice %get3A_1 {offsets = [0, 17024], sizes = [32, 128], strides = [1, 1]} : vector<32x20480xf32> to vector<32x128xf32>
    %slice3A_199 = vector.extract_strided_slice %get3A_1 {offsets = [0, 17152], sizes = [32, 128], strides = [1, 1]} : vector<32x20480xf32> to vector<32x128xf32>
    %slice3A_200 = vector.extract_strided_slice %get3A_1 {offsets = [0, 17280], sizes = [32, 128], strides = [1, 1]} : vector<32x20480xf32> to vector<32x128xf32>
    %concatenate3A_201 = tpu.concatenate %slice3A_197, %slice3A_198, %slice3A_199, %slice3A_200 in 0 : vector<32x128xf32>, vector<32x128xf32>, vector<32x128xf32>, vector<32x128xf32> -> vector<128x128xf32>
    %transpose3A_202 = tpu.transpose %concatenate3A_201, [1, 0] : vector<128x128xf32> -> vector<128x128xf32>
    %slice3A_203 = vector.extract_strided_slice %get3A_1 {offsets = [0, 17408], sizes = [32, 128], strides = [1, 1]} : vector<32x20480xf32> to vector<32x128xf32>
    %slice3A_204 = vector.extract_strided_slice %get3A_1 {offsets = [0, 17536], sizes = [32, 128], strides = [1, 1]} : vector<32x20480xf32> to vector<32x128xf32>
    %slice3A_205 = vector.extract_strided_slice %get3A_1 {offsets = [0, 17664], sizes = [32, 128], strides = [1, 1]} : vector<32x20480xf32> to vector<32x128xf32>
    %slice3A_206 = vector.extract_strided_slice %get3A_1 {offsets = [0, 17792], sizes = [32, 128], strides = [1, 1]} : vector<32x20480xf32> to vector<32x128xf32>
    %concatenate3A_207 = tpu.concatenate %slice3A_203, %slice3A_204, %slice3A_205, %slice3A_206 in 0 : vector<32x128xf32>, vector<32x128xf32>, vector<32x128xf32>, vector<32x128xf32> -> vector<128x128xf32>
    %transpose3A_208 = tpu.transpose %concatenate3A_207, [1, 0] : vector<128x128xf32> -> vector<128x128xf32>
    %slice3A_209 = vector.extract_strided_slice %get3A_1 {offsets = [0, 17920], sizes = [32, 128], strides = [1, 1]} : vector<32x20480xf32> to vector<32x128xf32>
    %slice3A_210 = vector.extract_strided_slice %get3A_1 {offsets = [0, 18048], sizes = [32, 128], strides = [1, 1]} : vector<32x20480xf32> to vector<32x128xf32>
    %slice3A_211 = vector.extract_strided_slice %get3A_1 {offsets = [0, 18176], sizes = [32, 128], strides = [1, 1]} : vector<32x20480xf32> to vector<32x128xf32>
    %slice3A_212 = vector.extract_strided_slice %get3A_1 {offsets = [0, 18304], sizes = [32, 128], strides = [1, 1]} : vector<32x20480xf32> to vector<32x128xf32>
    %concatenate3A_213 = tpu.concatenate %slice3A_209, %slice3A_210, %slice3A_211, %slice3A_212 in 0 : vector<32x128xf32>, vector<32x128xf32>, vector<32x128xf32>, vector<32x128xf32> -> vector<128x128xf32>
    %transpose3A_214 = tpu.transpose %concatenate3A_213, [1, 0] : vector<128x128xf32> -> vector<128x128xf32>
    %slice3A_215 = vector.extract_strided_slice %get3A_1 {offsets = [0, 18432], sizes = [32, 128], strides = [1, 1]} : vector<32x20480xf32> to vector<32x128xf32>
    %slice3A_216 = vector.extract_strided_slice %get3A_1 {offsets = [0, 18560], sizes = [32, 128], strides = [1, 1]} : vector<32x20480xf32> to vector<32x128xf32>
    %slice3A_217 = vector.extract_strided_slice %get3A_1 {offsets = [0, 18688], sizes = [32, 128], strides = [1, 1]} : vector<32x20480xf32> to vector<32x128xf32>
    %slice3A_218 = vector.extract_strided_slice %get3A_1 {offsets = [0, 18816], sizes = [32, 128], strides = [1, 1]} : vector<32x20480xf32> to vector<32x128xf32>
    %concatenate3A_219 = tpu.concatenate %slice3A_215, %slice3A_216, %slice3A_217, %slice3A_218 in 0 : vector<32x128xf32>, vector<32x128xf32>, vector<32x128xf32>, vector<32x128xf32> -> vector<128x128xf32>
    %transpose3A_220 = tpu.transpose %concatenate3A_219, [1, 0] : vector<128x128xf32> -> vector<128x128xf32>
    %slice3A_221 = vector.extract_strided_slice %get3A_1 {offsets = [0, 18944], sizes = [32, 128], strides = [1, 1]} : vector<32x20480xf32> to vector<32x128xf32>
    %slice3A_222 = vector.extract_strided_slice %get3A_1 {offsets = [0, 19072], sizes = [32, 128], strides = [1, 1]} : vector<32x20480xf32> to vector<32x128xf32>
    %slice3A_223 = vector.extract_strided_slice %get3A_1 {offsets = [0, 19200], sizes = [32, 128], strides = [1, 1]} : vector<32x20480xf32> to vector<32x128xf32>
    %slice3A_224 = vector.extract_strided_slice %get3A_1 {offsets = [0, 19328], sizes = [32, 128], strides = [1, 1]} : vector<32x20480xf32> to vector<32x128xf32>
    %concatenate3A_225 = tpu.concatenate %slice3A_221, %slice3A_222, %slice3A_223, %slice3A_224 in 0 : vector<32x128xf32>, vector<32x128xf32>, vector<32x128xf32>, vector<32x128xf32> -> vector<128x128xf32>
    %transpose3A_226 = tpu.transpose %concatenate3A_225, [1, 0] : vector<128x128xf32> -> vector<128x128xf32>
    %slice3A_227 = vector.extract_strided_slice %get3A_1 {offsets = [0, 19456], sizes = [32, 128], strides = [1, 1]} : vector<32x20480xf32> to vector<32x128xf32>
    %slice3A_228 = vector.extract_strided_slice %get3A_1 {offsets = [0, 19584], sizes = [32, 128], strides = [1, 1]} : vector<32x20480xf32> to vector<32x128xf32>
    %slice3A_229 = vector.extract_strided_slice %get3A_1 {offsets = [0, 19712], sizes = [32, 128], strides = [1, 1]} : vector<32x20480xf32> to vector<32x128xf32>
    %slice3A_230 = vector.extract_strided_slice %get3A_1 {offsets = [0, 19840], sizes = [32, 128], strides = [1, 1]} : vector<32x20480xf32> to vector<32x128xf32>
    %concatenate3A_231 = tpu.concatenate %slice3A_227, %slice3A_228, %slice3A_229, %slice3A_230 in 0 : vector<32x128xf32>, vector<32x128xf32>, vector<32x128xf32>, vector<32x128xf32> -> vector<128x128xf32>
    %transpose3A_232 = tpu.transpose %concatenate3A_231, [1, 0] : vector<128x128xf32> -> vector<128x128xf32>
    %slice3A_233 = vector.extract_strided_slice %get3A_1 {offsets = [0, 19968], sizes = [32, 128], strides = [1, 1]} : vector<32x20480xf32> to vector<32x128xf32>
    %slice3A_234 = vector.extract_strided_slice %get3A_1 {offsets = [0, 20096], sizes = [32, 128], strides = [1, 1]} : vector<32x20480xf32> to vector<32x128xf32>
    %slice3A_235 = vector.extract_strided_slice %get3A_1 {offsets = [0, 20224], sizes = [32, 128], strides = [1, 1]} : vector<32x20480xf32> to vector<32x128xf32>
    %slice3A_236 = vector.extract_strided_slice %get3A_1 {offsets = [0, 20352], sizes = [32, 128], strides = [1, 1]} : vector<32x20480xf32> to vector<32x128xf32>
    %concatenate3A_237 = tpu.concatenate %slice3A_233, %slice3A_234, %slice3A_235, %slice3A_236 in 0 : vector<32x128xf32>, vector<32x128xf32>, vector<32x128xf32>, vector<32x128xf32> -> vector<128x128xf32>
    %transpose3A_238 = tpu.transpose %concatenate3A_237, [1, 0] : vector<128x128xf32> -> vector<128x128xf32>
    %concatenate3A_239 = tpu.concatenate %transpose3A, %transpose3A_10, %transpose3A_16, %transpose3A_22, %transpose3A_28, %transpose3A_34, %transpose3A_40, %transpose3A_46, %transpose3A_52, %transpose3A_58, %transpose3A_64, %transpose3A_70, %transpose3A_76, %transpose3A_82, %transpose3A_88, %transpose3A_94, %transpose3A_100, %transpose3A_106, %transpose3A_112, %transpose3A_118, %transpose3A_124, %transpose3A_130, %transpose3A_136, %transpose3A_142, %transpose3A_148, %transpose3A_154, %transpose3A_160, %transpose3A_166, %transpose3A_172, %transpose3A_178, %transpose3A_184, %transpose3A_190, %transpose3A_196, %transpose3A_202, %transpose3A_208, %transpose3A_214, %transpose3A_220, %transpose3A_226, %transpose3A_232, %transpose3A_238 in 0 : vector<128x128xf32>, vector<128x128xf32>, vector<128x128xf32>, vector<128x128xf32>, vector<128x128xf32>, vector<128x128xf32>, vector<128x128xf32>, vector<128x128xf32>, vector<128x128xf32>, vector<128x128xf32>, vector<128x128xf32>, vector<128x128xf32>, vector<128x128xf32>, vector<128x128xf32>, vector<128x128xf32>, vector<128x128xf32>, vector<128x128xf32>, vector<128x128xf32>, vector<128x128xf32>, vector<128x128xf32>, vector<128x128xf32>, vector<128x128xf32>, vector<128x128xf32>, vector<128x128xf32>, vector<128x128xf32>, vector<128x128xf32>, vector<128x128xf32>, vector<128x128xf32>, vector<128x128xf32>, vector<128x128xf32>, vector<128x128xf32>, vector<128x128xf32>, vector<128x128xf32>, vector<128x128xf32>, vector<128x128xf32>, vector<128x128xf32>, vector<128x128xf32>, vector<128x128xf32>, vector<128x128xf32>, vector<128x128xf32> -> vector<5120x128xf32>
    %swap3A = arith.constant 0 : index
    %swap3A_240 = arith.constant 0 : index
    %swap3A_241 = vector.load %arg2[%swap3A, %swap3A_240] : memref<5120x128xf32, #tpu.memory_space<vmem>>, vector<5120x128xf32>
    tpu.vector_store %arg2[%swap3A, %swap3A_240], %concatenate3A_239 {strides = array<i32>} : memref<5120x128xf32, #tpu.memory_space<vmem>>, vector<5120x128xf32>,
    return
  }
  func.func @transform_0(%arg0: i32) -> (i32, i32) {
    %c0_i32 = arith.constant 0 : i32
    %c0_i32_0 = arith.constant 0 : i32
    return %c0_i32, %arg0 : i32, i32
  }
  func.func @transform_1(%arg0: i32) -> (i32, i32) {
    %c0_i32 = arith.constant 0 : i32
    %c0_i32_0 = arith.constant 0 : i32
    return %arg0, %c0_i32 : i32, i32
  }
}

module attributes {stable_mosaic.version = 14 : i64} {
  func.func @_compact_body(%arg0: i32, %arg1: memref<64x10240xf32, #tpu.memory_space<vmem>>, %arg2: memref<5120x128xf32, #tpu.memory_space<vmem>>) attributes {dimension_semantics = [#tpu.dimension_semantics<arbitrary>], iteration_bounds = array<i64: 1>, scalar_prefetch = 0 : i64, scratch_operands = 0 : i64, tpu.core_type = #tpu.core_type<tc>, window_params = [{transform_indices = @transform_0, window_bounds = array<i64: 64, 10240>}, {transform_indices = @transform_1, window_bounds = array<i64: 5120, 128>}]} {
    %get3A = arith.constant 0 : index
    %get3A_0 = arith.constant 0 : index
    %get3A_1 = vector.load %arg1[%get3A, %get3A_0] : memref<64x10240xf32, #tpu.memory_space<vmem>>, vector<64x10240xf32>
    %slice3A = vector.extract_strided_slice %get3A_1 {offsets = [0, 0], sizes = [64, 128], strides = [1, 1]} : vector<64x10240xf32> to vector<64x128xf32>
    %slice3A_2 = vector.extract_strided_slice %get3A_1 {offsets = [0, 128], sizes = [64, 128], strides = [1, 1]} : vector<64x10240xf32> to vector<64x128xf32>
    %concatenate3A = tpu.concatenate %slice3A, %slice3A_2 in 0 : vector<64x128xf32>, vector<64x128xf32> -> vector<128x128xf32>
    %transpose3A = tpu.transpose %concatenate3A, [1, 0] : vector<128x128xf32> -> vector<128x128xf32>
    %slice3A_3 = vector.extract_strided_slice %get3A_1 {offsets = [0, 256], sizes = [64, 128], strides = [1, 1]} : vector<64x10240xf32> to vector<64x128xf32>
    %slice3A_4 = vector.extract_strided_slice %get3A_1 {offsets = [0, 384], sizes = [64, 128], strides = [1, 1]} : vector<64x10240xf32> to vector<64x128xf32>
    %concatenate3A_5 = tpu.concatenate %slice3A_3, %slice3A_4 in 0 : vector<64x128xf32>, vector<64x128xf32> -> vector<128x128xf32>
    %transpose3A_6 = tpu.transpose %concatenate3A_5, [1, 0] : vector<128x128xf32> -> vector<128x128xf32>
    %slice3A_7 = vector.extract_strided_slice %get3A_1 {offsets = [0, 512], sizes = [64, 128], strides = [1, 1]} : vector<64x10240xf32> to vector<64x128xf32>
    %slice3A_8 = vector.extract_strided_slice %get3A_1 {offsets = [0, 640], sizes = [64, 128], strides = [1, 1]} : vector<64x10240xf32> to vector<64x128xf32>
    %concatenate3A_9 = tpu.concatenate %slice3A_7, %slice3A_8 in 0 : vector<64x128xf32>, vector<64x128xf32> -> vector<128x128xf32>
    %transpose3A_10 = tpu.transpose %concatenate3A_9, [1, 0] : vector<128x128xf32> -> vector<128x128xf32>
    %slice3A_11 = vector.extract_strided_slice %get3A_1 {offsets = [0, 768], sizes = [64, 128], strides = [1, 1]} : vector<64x10240xf32> to vector<64x128xf32>
    %slice3A_12 = vector.extract_strided_slice %get3A_1 {offsets = [0, 896], sizes = [64, 128], strides = [1, 1]} : vector<64x10240xf32> to vector<64x128xf32>
    %concatenate3A_13 = tpu.concatenate %slice3A_11, %slice3A_12 in 0 : vector<64x128xf32>, vector<64x128xf32> -> vector<128x128xf32>
    %transpose3A_14 = tpu.transpose %concatenate3A_13, [1, 0] : vector<128x128xf32> -> vector<128x128xf32>
    %slice3A_15 = vector.extract_strided_slice %get3A_1 {offsets = [0, 1024], sizes = [64, 128], strides = [1, 1]} : vector<64x10240xf32> to vector<64x128xf32>
    %slice3A_16 = vector.extract_strided_slice %get3A_1 {offsets = [0, 1152], sizes = [64, 128], strides = [1, 1]} : vector<64x10240xf32> to vector<64x128xf32>
    %concatenate3A_17 = tpu.concatenate %slice3A_15, %slice3A_16 in 0 : vector<64x128xf32>, vector<64x128xf32> -> vector<128x128xf32>
    %transpose3A_18 = tpu.transpose %concatenate3A_17, [1, 0] : vector<128x128xf32> -> vector<128x128xf32>
    %slice3A_19 = vector.extract_strided_slice %get3A_1 {offsets = [0, 1280], sizes = [64, 128], strides = [1, 1]} : vector<64x10240xf32> to vector<64x128xf32>
    %slice3A_20 = vector.extract_strided_slice %get3A_1 {offsets = [0, 1408], sizes = [64, 128], strides = [1, 1]} : vector<64x10240xf32> to vector<64x128xf32>
    %concatenate3A_21 = tpu.concatenate %slice3A_19, %slice3A_20 in 0 : vector<64x128xf32>, vector<64x128xf32> -> vector<128x128xf32>
    %transpose3A_22 = tpu.transpose %concatenate3A_21, [1, 0] : vector<128x128xf32> -> vector<128x128xf32>
    %slice3A_23 = vector.extract_strided_slice %get3A_1 {offsets = [0, 1536], sizes = [64, 128], strides = [1, 1]} : vector<64x10240xf32> to vector<64x128xf32>
    %slice3A_24 = vector.extract_strided_slice %get3A_1 {offsets = [0, 1664], sizes = [64, 128], strides = [1, 1]} : vector<64x10240xf32> to vector<64x128xf32>
    %concatenate3A_25 = tpu.concatenate %slice3A_23, %slice3A_24 in 0 : vector<64x128xf32>, vector<64x128xf32> -> vector<128x128xf32>
    %transpose3A_26 = tpu.transpose %concatenate3A_25, [1, 0] : vector<128x128xf32> -> vector<128x128xf32>
    %slice3A_27 = vector.extract_strided_slice %get3A_1 {offsets = [0, 1792], sizes = [64, 128], strides = [1, 1]} : vector<64x10240xf32> to vector<64x128xf32>
    %slice3A_28 = vector.extract_strided_slice %get3A_1 {offsets = [0, 1920], sizes = [64, 128], strides = [1, 1]} : vector<64x10240xf32> to vector<64x128xf32>
    %concatenate3A_29 = tpu.concatenate %slice3A_27, %slice3A_28 in 0 : vector<64x128xf32>, vector<64x128xf32> -> vector<128x128xf32>
    %transpose3A_30 = tpu.transpose %concatenate3A_29, [1, 0] : vector<128x128xf32> -> vector<128x128xf32>
    %slice3A_31 = vector.extract_strided_slice %get3A_1 {offsets = [0, 2048], sizes = [64, 128], strides = [1, 1]} : vector<64x10240xf32> to vector<64x128xf32>
    %slice3A_32 = vector.extract_strided_slice %get3A_1 {offsets = [0, 2176], sizes = [64, 128], strides = [1, 1]} : vector<64x10240xf32> to vector<64x128xf32>
    %concatenate3A_33 = tpu.concatenate %slice3A_31, %slice3A_32 in 0 : vector<64x128xf32>, vector<64x128xf32> -> vector<128x128xf32>
    %transpose3A_34 = tpu.transpose %concatenate3A_33, [1, 0] : vector<128x128xf32> -> vector<128x128xf32>
    %slice3A_35 = vector.extract_strided_slice %get3A_1 {offsets = [0, 2304], sizes = [64, 128], strides = [1, 1]} : vector<64x10240xf32> to vector<64x128xf32>
    %slice3A_36 = vector.extract_strided_slice %get3A_1 {offsets = [0, 2432], sizes = [64, 128], strides = [1, 1]} : vector<64x10240xf32> to vector<64x128xf32>
    %concatenate3A_37 = tpu.concatenate %slice3A_35, %slice3A_36 in 0 : vector<64x128xf32>, vector<64x128xf32> -> vector<128x128xf32>
    %transpose3A_38 = tpu.transpose %concatenate3A_37, [1, 0] : vector<128x128xf32> -> vector<128x128xf32>
    %slice3A_39 = vector.extract_strided_slice %get3A_1 {offsets = [0, 2560], sizes = [64, 128], strides = [1, 1]} : vector<64x10240xf32> to vector<64x128xf32>
    %slice3A_40 = vector.extract_strided_slice %get3A_1 {offsets = [0, 2688], sizes = [64, 128], strides = [1, 1]} : vector<64x10240xf32> to vector<64x128xf32>
    %concatenate3A_41 = tpu.concatenate %slice3A_39, %slice3A_40 in 0 : vector<64x128xf32>, vector<64x128xf32> -> vector<128x128xf32>
    %transpose3A_42 = tpu.transpose %concatenate3A_41, [1, 0] : vector<128x128xf32> -> vector<128x128xf32>
    %slice3A_43 = vector.extract_strided_slice %get3A_1 {offsets = [0, 2816], sizes = [64, 128], strides = [1, 1]} : vector<64x10240xf32> to vector<64x128xf32>
    %slice3A_44 = vector.extract_strided_slice %get3A_1 {offsets = [0, 2944], sizes = [64, 128], strides = [1, 1]} : vector<64x10240xf32> to vector<64x128xf32>
    %concatenate3A_45 = tpu.concatenate %slice3A_43, %slice3A_44 in 0 : vector<64x128xf32>, vector<64x128xf32> -> vector<128x128xf32>
    %transpose3A_46 = tpu.transpose %concatenate3A_45, [1, 0] : vector<128x128xf32> -> vector<128x128xf32>
    %slice3A_47 = vector.extract_strided_slice %get3A_1 {offsets = [0, 3072], sizes = [64, 128], strides = [1, 1]} : vector<64x10240xf32> to vector<64x128xf32>
    %slice3A_48 = vector.extract_strided_slice %get3A_1 {offsets = [0, 3200], sizes = [64, 128], strides = [1, 1]} : vector<64x10240xf32> to vector<64x128xf32>
    %concatenate3A_49 = tpu.concatenate %slice3A_47, %slice3A_48 in 0 : vector<64x128xf32>, vector<64x128xf32> -> vector<128x128xf32>
    %transpose3A_50 = tpu.transpose %concatenate3A_49, [1, 0] : vector<128x128xf32> -> vector<128x128xf32>
    %slice3A_51 = vector.extract_strided_slice %get3A_1 {offsets = [0, 3328], sizes = [64, 128], strides = [1, 1]} : vector<64x10240xf32> to vector<64x128xf32>
    %slice3A_52 = vector.extract_strided_slice %get3A_1 {offsets = [0, 3456], sizes = [64, 128], strides = [1, 1]} : vector<64x10240xf32> to vector<64x128xf32>
    %concatenate3A_53 = tpu.concatenate %slice3A_51, %slice3A_52 in 0 : vector<64x128xf32>, vector<64x128xf32> -> vector<128x128xf32>
    %transpose3A_54 = tpu.transpose %concatenate3A_53, [1, 0] : vector<128x128xf32> -> vector<128x128xf32>
    %slice3A_55 = vector.extract_strided_slice %get3A_1 {offsets = [0, 3584], sizes = [64, 128], strides = [1, 1]} : vector<64x10240xf32> to vector<64x128xf32>
    %slice3A_56 = vector.extract_strided_slice %get3A_1 {offsets = [0, 3712], sizes = [64, 128], strides = [1, 1]} : vector<64x10240xf32> to vector<64x128xf32>
    %concatenate3A_57 = tpu.concatenate %slice3A_55, %slice3A_56 in 0 : vector<64x128xf32>, vector<64x128xf32> -> vector<128x128xf32>
    %transpose3A_58 = tpu.transpose %concatenate3A_57, [1, 0] : vector<128x128xf32> -> vector<128x128xf32>
    %slice3A_59 = vector.extract_strided_slice %get3A_1 {offsets = [0, 3840], sizes = [64, 128], strides = [1, 1]} : vector<64x10240xf32> to vector<64x128xf32>
    %slice3A_60 = vector.extract_strided_slice %get3A_1 {offsets = [0, 3968], sizes = [64, 128], strides = [1, 1]} : vector<64x10240xf32> to vector<64x128xf32>
    %concatenate3A_61 = tpu.concatenate %slice3A_59, %slice3A_60 in 0 : vector<64x128xf32>, vector<64x128xf32> -> vector<128x128xf32>
    %transpose3A_62 = tpu.transpose %concatenate3A_61, [1, 0] : vector<128x128xf32> -> vector<128x128xf32>
    %slice3A_63 = vector.extract_strided_slice %get3A_1 {offsets = [0, 4096], sizes = [64, 128], strides = [1, 1]} : vector<64x10240xf32> to vector<64x128xf32>
    %slice3A_64 = vector.extract_strided_slice %get3A_1 {offsets = [0, 4224], sizes = [64, 128], strides = [1, 1]} : vector<64x10240xf32> to vector<64x128xf32>
    %concatenate3A_65 = tpu.concatenate %slice3A_63, %slice3A_64 in 0 : vector<64x128xf32>, vector<64x128xf32> -> vector<128x128xf32>
    %transpose3A_66 = tpu.transpose %concatenate3A_65, [1, 0] : vector<128x128xf32> -> vector<128x128xf32>
    %slice3A_67 = vector.extract_strided_slice %get3A_1 {offsets = [0, 4352], sizes = [64, 128], strides = [1, 1]} : vector<64x10240xf32> to vector<64x128xf32>
    %slice3A_68 = vector.extract_strided_slice %get3A_1 {offsets = [0, 4480], sizes = [64, 128], strides = [1, 1]} : vector<64x10240xf32> to vector<64x128xf32>
    %concatenate3A_69 = tpu.concatenate %slice3A_67, %slice3A_68 in 0 : vector<64x128xf32>, vector<64x128xf32> -> vector<128x128xf32>
    %transpose3A_70 = tpu.transpose %concatenate3A_69, [1, 0] : vector<128x128xf32> -> vector<128x128xf32>
    %slice3A_71 = vector.extract_strided_slice %get3A_1 {offsets = [0, 4608], sizes = [64, 128], strides = [1, 1]} : vector<64x10240xf32> to vector<64x128xf32>
    %slice3A_72 = vector.extract_strided_slice %get3A_1 {offsets = [0, 4736], sizes = [64, 128], strides = [1, 1]} : vector<64x10240xf32> to vector<64x128xf32>
    %concatenate3A_73 = tpu.concatenate %slice3A_71, %slice3A_72 in 0 : vector<64x128xf32>, vector<64x128xf32> -> vector<128x128xf32>
    %transpose3A_74 = tpu.transpose %concatenate3A_73, [1, 0] : vector<128x128xf32> -> vector<128x128xf32>
    %slice3A_75 = vector.extract_strided_slice %get3A_1 {offsets = [0, 4864], sizes = [64, 128], strides = [1, 1]} : vector<64x10240xf32> to vector<64x128xf32>
    %slice3A_76 = vector.extract_strided_slice %get3A_1 {offsets = [0, 4992], sizes = [64, 128], strides = [1, 1]} : vector<64x10240xf32> to vector<64x128xf32>
    %concatenate3A_77 = tpu.concatenate %slice3A_75, %slice3A_76 in 0 : vector<64x128xf32>, vector<64x128xf32> -> vector<128x128xf32>
    %transpose3A_78 = tpu.transpose %concatenate3A_77, [1, 0] : vector<128x128xf32> -> vector<128x128xf32>
    %slice3A_79 = vector.extract_strided_slice %get3A_1 {offsets = [0, 5120], sizes = [64, 128], strides = [1, 1]} : vector<64x10240xf32> to vector<64x128xf32>
    %slice3A_80 = vector.extract_strided_slice %get3A_1 {offsets = [0, 5248], sizes = [64, 128], strides = [1, 1]} : vector<64x10240xf32> to vector<64x128xf32>
    %concatenate3A_81 = tpu.concatenate %slice3A_79, %slice3A_80 in 0 : vector<64x128xf32>, vector<64x128xf32> -> vector<128x128xf32>
    %transpose3A_82 = tpu.transpose %concatenate3A_81, [1, 0] : vector<128x128xf32> -> vector<128x128xf32>
    %slice3A_83 = vector.extract_strided_slice %get3A_1 {offsets = [0, 5376], sizes = [64, 128], strides = [1, 1]} : vector<64x10240xf32> to vector<64x128xf32>
    %slice3A_84 = vector.extract_strided_slice %get3A_1 {offsets = [0, 5504], sizes = [64, 128], strides = [1, 1]} : vector<64x10240xf32> to vector<64x128xf32>
    %concatenate3A_85 = tpu.concatenate %slice3A_83, %slice3A_84 in 0 : vector<64x128xf32>, vector<64x128xf32> -> vector<128x128xf32>
    %transpose3A_86 = tpu.transpose %concatenate3A_85, [1, 0] : vector<128x128xf32> -> vector<128x128xf32>
    %slice3A_87 = vector.extract_strided_slice %get3A_1 {offsets = [0, 5632], sizes = [64, 128], strides = [1, 1]} : vector<64x10240xf32> to vector<64x128xf32>
    %slice3A_88 = vector.extract_strided_slice %get3A_1 {offsets = [0, 5760], sizes = [64, 128], strides = [1, 1]} : vector<64x10240xf32> to vector<64x128xf32>
    %concatenate3A_89 = tpu.concatenate %slice3A_87, %slice3A_88 in 0 : vector<64x128xf32>, vector<64x128xf32> -> vector<128x128xf32>
    %transpose3A_90 = tpu.transpose %concatenate3A_89, [1, 0] : vector<128x128xf32> -> vector<128x128xf32>
    %slice3A_91 = vector.extract_strided_slice %get3A_1 {offsets = [0, 5888], sizes = [64, 128], strides = [1, 1]} : vector<64x10240xf32> to vector<64x128xf32>
    %slice3A_92 = vector.extract_strided_slice %get3A_1 {offsets = [0, 6016], sizes = [64, 128], strides = [1, 1]} : vector<64x10240xf32> to vector<64x128xf32>
    %concatenate3A_93 = tpu.concatenate %slice3A_91, %slice3A_92 in 0 : vector<64x128xf32>, vector<64x128xf32> -> vector<128x128xf32>
    %transpose3A_94 = tpu.transpose %concatenate3A_93, [1, 0] : vector<128x128xf32> -> vector<128x128xf32>
    %slice3A_95 = vector.extract_strided_slice %get3A_1 {offsets = [0, 6144], sizes = [64, 128], strides = [1, 1]} : vector<64x10240xf32> to vector<64x128xf32>
    %slice3A_96 = vector.extract_strided_slice %get3A_1 {offsets = [0, 6272], sizes = [64, 128], strides = [1, 1]} : vector<64x10240xf32> to vector<64x128xf32>
    %concatenate3A_97 = tpu.concatenate %slice3A_95, %slice3A_96 in 0 : vector<64x128xf32>, vector<64x128xf32> -> vector<128x128xf32>
    %transpose3A_98 = tpu.transpose %concatenate3A_97, [1, 0] : vector<128x128xf32> -> vector<128x128xf32>
    %slice3A_99 = vector.extract_strided_slice %get3A_1 {offsets = [0, 6400], sizes = [64, 128], strides = [1, 1]} : vector<64x10240xf32> to vector<64x128xf32>
    %slice3A_100 = vector.extract_strided_slice %get3A_1 {offsets = [0, 6528], sizes = [64, 128], strides = [1, 1]} : vector<64x10240xf32> to vector<64x128xf32>
    %concatenate3A_101 = tpu.concatenate %slice3A_99, %slice3A_100 in 0 : vector<64x128xf32>, vector<64x128xf32> -> vector<128x128xf32>
    %transpose3A_102 = tpu.transpose %concatenate3A_101, [1, 0] : vector<128x128xf32> -> vector<128x128xf32>
    %slice3A_103 = vector.extract_strided_slice %get3A_1 {offsets = [0, 6656], sizes = [64, 128], strides = [1, 1]} : vector<64x10240xf32> to vector<64x128xf32>
    %slice3A_104 = vector.extract_strided_slice %get3A_1 {offsets = [0, 6784], sizes = [64, 128], strides = [1, 1]} : vector<64x10240xf32> to vector<64x128xf32>
    %concatenate3A_105 = tpu.concatenate %slice3A_103, %slice3A_104 in 0 : vector<64x128xf32>, vector<64x128xf32> -> vector<128x128xf32>
    %transpose3A_106 = tpu.transpose %concatenate3A_105, [1, 0] : vector<128x128xf32> -> vector<128x128xf32>
    %slice3A_107 = vector.extract_strided_slice %get3A_1 {offsets = [0, 6912], sizes = [64, 128], strides = [1, 1]} : vector<64x10240xf32> to vector<64x128xf32>
    %slice3A_108 = vector.extract_strided_slice %get3A_1 {offsets = [0, 7040], sizes = [64, 128], strides = [1, 1]} : vector<64x10240xf32> to vector<64x128xf32>
    %concatenate3A_109 = tpu.concatenate %slice3A_107, %slice3A_108 in 0 : vector<64x128xf32>, vector<64x128xf32> -> vector<128x128xf32>
    %transpose3A_110 = tpu.transpose %concatenate3A_109, [1, 0] : vector<128x128xf32> -> vector<128x128xf32>
    %slice3A_111 = vector.extract_strided_slice %get3A_1 {offsets = [0, 7168], sizes = [64, 128], strides = [1, 1]} : vector<64x10240xf32> to vector<64x128xf32>
    %slice3A_112 = vector.extract_strided_slice %get3A_1 {offsets = [0, 7296], sizes = [64, 128], strides = [1, 1]} : vector<64x10240xf32> to vector<64x128xf32>
    %concatenate3A_113 = tpu.concatenate %slice3A_111, %slice3A_112 in 0 : vector<64x128xf32>, vector<64x128xf32> -> vector<128x128xf32>
    %transpose3A_114 = tpu.transpose %concatenate3A_113, [1, 0] : vector<128x128xf32> -> vector<128x128xf32>
    %slice3A_115 = vector.extract_strided_slice %get3A_1 {offsets = [0, 7424], sizes = [64, 128], strides = [1, 1]} : vector<64x10240xf32> to vector<64x128xf32>
    %slice3A_116 = vector.extract_strided_slice %get3A_1 {offsets = [0, 7552], sizes = [64, 128], strides = [1, 1]} : vector<64x10240xf32> to vector<64x128xf32>
    %concatenate3A_117 = tpu.concatenate %slice3A_115, %slice3A_116 in 0 : vector<64x128xf32>, vector<64x128xf32> -> vector<128x128xf32>
    %transpose3A_118 = tpu.transpose %concatenate3A_117, [1, 0] : vector<128x128xf32> -> vector<128x128xf32>
    %slice3A_119 = vector.extract_strided_slice %get3A_1 {offsets = [0, 7680], sizes = [64, 128], strides = [1, 1]} : vector<64x10240xf32> to vector<64x128xf32>
    %slice3A_120 = vector.extract_strided_slice %get3A_1 {offsets = [0, 7808], sizes = [64, 128], strides = [1, 1]} : vector<64x10240xf32> to vector<64x128xf32>
    %concatenate3A_121 = tpu.concatenate %slice3A_119, %slice3A_120 in 0 : vector<64x128xf32>, vector<64x128xf32> -> vector<128x128xf32>
    %transpose3A_122 = tpu.transpose %concatenate3A_121, [1, 0] : vector<128x128xf32> -> vector<128x128xf32>
    %slice3A_123 = vector.extract_strided_slice %get3A_1 {offsets = [0, 7936], sizes = [64, 128], strides = [1, 1]} : vector<64x10240xf32> to vector<64x128xf32>
    %slice3A_124 = vector.extract_strided_slice %get3A_1 {offsets = [0, 8064], sizes = [64, 128], strides = [1, 1]} : vector<64x10240xf32> to vector<64x128xf32>
    %concatenate3A_125 = tpu.concatenate %slice3A_123, %slice3A_124 in 0 : vector<64x128xf32>, vector<64x128xf32> -> vector<128x128xf32>
    %transpose3A_126 = tpu.transpose %concatenate3A_125, [1, 0] : vector<128x128xf32> -> vector<128x128xf32>
    %slice3A_127 = vector.extract_strided_slice %get3A_1 {offsets = [0, 8192], sizes = [64, 128], strides = [1, 1]} : vector<64x10240xf32> to vector<64x128xf32>
    %slice3A_128 = vector.extract_strided_slice %get3A_1 {offsets = [0, 8320], sizes = [64, 128], strides = [1, 1]} : vector<64x10240xf32> to vector<64x128xf32>
    %concatenate3A_129 = tpu.concatenate %slice3A_127, %slice3A_128 in 0 : vector<64x128xf32>, vector<64x128xf32> -> vector<128x128xf32>
    %transpose3A_130 = tpu.transpose %concatenate3A_129, [1, 0] : vector<128x128xf32> -> vector<128x128xf32>
    %slice3A_131 = vector.extract_strided_slice %get3A_1 {offsets = [0, 8448], sizes = [64, 128], strides = [1, 1]} : vector<64x10240xf32> to vector<64x128xf32>
    %slice3A_132 = vector.extract_strided_slice %get3A_1 {offsets = [0, 8576], sizes = [64, 128], strides = [1, 1]} : vector<64x10240xf32> to vector<64x128xf32>
    %concatenate3A_133 = tpu.concatenate %slice3A_131, %slice3A_132 in 0 : vector<64x128xf32>, vector<64x128xf32> -> vector<128x128xf32>
    %transpose3A_134 = tpu.transpose %concatenate3A_133, [1, 0] : vector<128x128xf32> -> vector<128x128xf32>
    %slice3A_135 = vector.extract_strided_slice %get3A_1 {offsets = [0, 8704], sizes = [64, 128], strides = [1, 1]} : vector<64x10240xf32> to vector<64x128xf32>
    %slice3A_136 = vector.extract_strided_slice %get3A_1 {offsets = [0, 8832], sizes = [64, 128], strides = [1, 1]} : vector<64x10240xf32> to vector<64x128xf32>
    %concatenate3A_137 = tpu.concatenate %slice3A_135, %slice3A_136 in 0 : vector<64x128xf32>, vector<64x128xf32> -> vector<128x128xf32>
    %transpose3A_138 = tpu.transpose %concatenate3A_137, [1, 0] : vector<128x128xf32> -> vector<128x128xf32>
    %slice3A_139 = vector.extract_strided_slice %get3A_1 {offsets = [0, 8960], sizes = [64, 128], strides = [1, 1]} : vector<64x10240xf32> to vector<64x128xf32>
    %slice3A_140 = vector.extract_strided_slice %get3A_1 {offsets = [0, 9088], sizes = [64, 128], strides = [1, 1]} : vector<64x10240xf32> to vector<64x128xf32>
    %concatenate3A_141 = tpu.concatenate %slice3A_139, %slice3A_140 in 0 : vector<64x128xf32>, vector<64x128xf32> -> vector<128x128xf32>
    %transpose3A_142 = tpu.transpose %concatenate3A_141, [1, 0] : vector<128x128xf32> -> vector<128x128xf32>
    %slice3A_143 = vector.extract_strided_slice %get3A_1 {offsets = [0, 9216], sizes = [64, 128], strides = [1, 1]} : vector<64x10240xf32> to vector<64x128xf32>
    %slice3A_144 = vector.extract_strided_slice %get3A_1 {offsets = [0, 9344], sizes = [64, 128], strides = [1, 1]} : vector<64x10240xf32> to vector<64x128xf32>
    %concatenate3A_145 = tpu.concatenate %slice3A_143, %slice3A_144 in 0 : vector<64x128xf32>, vector<64x128xf32> -> vector<128x128xf32>
    %transpose3A_146 = tpu.transpose %concatenate3A_145, [1, 0] : vector<128x128xf32> -> vector<128x128xf32>
    %slice3A_147 = vector.extract_strided_slice %get3A_1 {offsets = [0, 9472], sizes = [64, 128], strides = [1, 1]} : vector<64x10240xf32> to vector<64x128xf32>
    %slice3A_148 = vector.extract_strided_slice %get3A_1 {offsets = [0, 9600], sizes = [64, 128], strides = [1, 1]} : vector<64x10240xf32> to vector<64x128xf32>
    %concatenate3A_149 = tpu.concatenate %slice3A_147, %slice3A_148 in 0 : vector<64x128xf32>, vector<64x128xf32> -> vector<128x128xf32>
    %transpose3A_150 = tpu.transpose %concatenate3A_149, [1, 0] : vector<128x128xf32> -> vector<128x128xf32>
    %slice3A_151 = vector.extract_strided_slice %get3A_1 {offsets = [0, 9728], sizes = [64, 128], strides = [1, 1]} : vector<64x10240xf32> to vector<64x128xf32>
    %slice3A_152 = vector.extract_strided_slice %get3A_1 {offsets = [0, 9856], sizes = [64, 128], strides = [1, 1]} : vector<64x10240xf32> to vector<64x128xf32>
    %concatenate3A_153 = tpu.concatenate %slice3A_151, %slice3A_152 in 0 : vector<64x128xf32>, vector<64x128xf32> -> vector<128x128xf32>
    %transpose3A_154 = tpu.transpose %concatenate3A_153, [1, 0] : vector<128x128xf32> -> vector<128x128xf32>
    %slice3A_155 = vector.extract_strided_slice %get3A_1 {offsets = [0, 9984], sizes = [64, 128], strides = [1, 1]} : vector<64x10240xf32> to vector<64x128xf32>
    %slice3A_156 = vector.extract_strided_slice %get3A_1 {offsets = [0, 10112], sizes = [64, 128], strides = [1, 1]} : vector<64x10240xf32> to vector<64x128xf32>
    %concatenate3A_157 = tpu.concatenate %slice3A_155, %slice3A_156 in 0 : vector<64x128xf32>, vector<64x128xf32> -> vector<128x128xf32>
    %transpose3A_158 = tpu.transpose %concatenate3A_157, [1, 0] : vector<128x128xf32> -> vector<128x128xf32>
    %concatenate3A_159 = tpu.concatenate %transpose3A, %transpose3A_6, %transpose3A_10, %transpose3A_14, %transpose3A_18, %transpose3A_22, %transpose3A_26, %transpose3A_30, %transpose3A_34, %transpose3A_38, %transpose3A_42, %transpose3A_46, %transpose3A_50, %transpose3A_54, %transpose3A_58, %transpose3A_62, %transpose3A_66, %transpose3A_70, %transpose3A_74, %transpose3A_78, %transpose3A_82, %transpose3A_86, %transpose3A_90, %transpose3A_94, %transpose3A_98, %transpose3A_102, %transpose3A_106, %transpose3A_110, %transpose3A_114, %transpose3A_118, %transpose3A_122, %transpose3A_126, %transpose3A_130, %transpose3A_134, %transpose3A_138, %transpose3A_142, %transpose3A_146, %transpose3A_150, %transpose3A_154, %transpose3A_158 in 0 : vector<128x128xf32>, vector<128x128xf32>, vector<128x128xf32>, vector<128x128xf32>, vector<128x128xf32>, vector<128x128xf32>, vector<128x128xf32>, vector<128x128xf32>, vector<128x128xf32>, vector<128x128xf32>, vector<128x128xf32>, vector<128x128xf32>, vector<128x128xf32>, vector<128x128xf32>, vector<128x128xf32>, vector<128x128xf32>, vector<128x128xf32>, vector<128x128xf32>, vector<128x128xf32>, vector<128x128xf32>, vector<128x128xf32>, vector<128x128xf32>, vector<128x128xf32>, vector<128x128xf32>, vector<128x128xf32>, vector<128x128xf32>, vector<128x128xf32>, vector<128x128xf32>, vector<128x128xf32>, vector<128x128xf32>, vector<128x128xf32>, vector<128x128xf32>, vector<128x128xf32>, vector<128x128xf32>, vector<128x128xf32>, vector<128x128xf32>, vector<128x128xf32>, vector<128x128xf32>, vector<128x128xf32>, vector<128x128xf32> -> vector<5120x128xf32>
    %swap3A = arith.constant 0 : index
    %swap3A_160 = arith.constant 0 : index
    %swap3A_161 = vector.load %arg2[%swap3A, %swap3A_160] : memref<5120x128xf32, #tpu.memory_space<vmem>>, vector<5120x128xf32>
    tpu.vector_store %arg2[%swap3A, %swap3A_160], %concatenate3A_159 {strides = array<i32>} : memref<5120x128xf32, #tpu.memory_space<vmem>>, vector<5120x128xf32>,
    return
  }
  func.func @transform_0(%arg0: i32) -> (i32, i32) {
    %c0_i32 = arith.constant 0 : i32
    %c0_i32_0 = arith.constant 0 : i32
    return %c0_i32, %arg0 : i32, i32
  }
  func.func @transform_1(%arg0: i32) -> (i32, i32) {
    %c0_i32 = arith.constant 0 : i32
    %c0_i32_0 = arith.constant 0 : i32
    return %arg0, %c0_i32 : i32, i32
  }
}

module attributes {stable_mosaic.version = 14 : i64} {
  func.func @_tc_body(%arg0: i32, %arg1: memref<512x128xf32, #tpu.memory_space<vmem>>, %arg2: memref<10x512x128xf32, #tpu.memory_space<vmem>>, %arg3: memref<512x1xi32, #tpu.memory_space<vmem>>, %arg4: memref<512x5xi32, #tpu.memory_space<vmem>>, %arg5: memref<512x5xi32, #tpu.memory_space<vmem>>, %arg6: memref<512x32xf32, #tpu.memory_space<vmem>>, %arg7: memref<512x32xf32, #tpu.memory_space<vmem>>, %arg8: memref<512x7xf32, #tpu.memory_space<vmem>>, %arg9: memref<135x512xf32, #tpu.memory_space<vmem>>, %arg10: memref<1x512xf32, #tpu.memory_space<vmem>>, %arg11: memref<512x1000xf32, #tpu.memory_space<vmem>>, %arg12: memref<1x1000xf32, #tpu.memory_space<vmem>>, %arg13: memref<512x1000xf32, #tpu.memory_space<vmem>>) attributes {dimension_semantics = [#tpu.dimension_semantics<arbitrary>], iteration_bounds = array<i64: 2>, scalar_prefetch = 0 : i64, scratch_operands = 0 : i64, tpu.core_type = #tpu.core_type<tc>, window_params = [{transform_indices = @transform_0, window_bounds = array<i64: 512, 128>}, {transform_indices = @transform_1, window_bounds = array<i64: 10, 512, 128>}, {transform_indices = @transform_2, window_bounds = array<i64: 512, 1>}, {transform_indices = @transform_3, window_bounds = array<i64: 512, 5>}, {transform_indices = @transform_4, window_bounds = array<i64: 512, 5>}, {transform_indices = @transform_5, window_bounds = array<i64: 512, 32>}, {transform_indices = @transform_6, window_bounds = array<i64: 512, 32>}, {transform_indices = @transform_7, window_bounds = array<i64: 512, 7>}, {pipeline_mode = #tpu.pipeline_mode<synchronous>, transform_indices = @transform_8, window_bounds = array<i64: 135, 512>}, {pipeline_mode = #tpu.pipeline_mode<synchronous>, transform_indices = @transform_9, window_bounds = array<i64: 1, 512>}, {pipeline_mode = #tpu.pipeline_mode<synchronous>, transform_indices = @transform_10, window_bounds = array<i64: 512, 1000>}, {pipeline_mode = #tpu.pipeline_mode<synchronous>, transform_indices = @transform_11, window_bounds = array<i64: 1, 1000>}, {transform_indices = @transform_12, window_bounds = array<i64: 512, 1000>}]} {
    %get3A = arith.constant 0 : index
    %get3A_0 = arith.constant 0 : index
    %get3A_1 = arith.constant 0 : index
    %get3A_2 = vector.load %arg2[%get3A, %get3A_0, %get3A_1] : memref<10x512x128xf32, #tpu.memory_space<vmem>>, vector<10x512x128xf32>
    %get3A_3 = arith.constant 0 : index
    %get3A_4 = arith.constant 0 : index
    %get3A_5 = vector.load %arg4[%get3A_3, %get3A_4] : memref<512x5xi32, #tpu.memory_space<vmem>>, vector<512x5xi32>
    %shift_right_arithmetic3A = arith.constant 7 : i32
    %shift_right_arithmetic3A_6 = vector.broadcast %shift_right_arithmetic3A : i32 to vector<512x5xi32>
    %shift_right_arithmetic3A_7 = arith.shrsi %get3A_5, %shift_right_arithmetic3A_6 : vector<512x5xi32>
    %and3A = arith.constant 3 : i32
    %and3A_8 = vector.broadcast %and3A : i32 to vector<512x5xi32>
    %and3A_9 = arith.andi %shift_right_arithmetic3A_7, %and3A_8 : vector<512x5xi32>
    %slice3A = vector.extract_strided_slice %get3A_2 {offsets = [0, 0, 0], sizes = [1, 512, 128], strides = [1, 1, 1]} : vector<10x512x128xf32> to vector<1x512x128xf32>
    %squeeze3A = vector.shape_cast %slice3A : vector<1x512x128xf32> to vector<512x128xf32>
    %slice3A_10 = vector.extract_strided_slice %and3A_9 {offsets = [0, 0], sizes = [512, 1], strides = [1, 1]} : vector<512x5xi32> to vector<512x1xi32>
    %eq3A = arith.constant 0 : i32
    %eq3A_11 = vector.broadcast %eq3A : i32 to vector<512x1xi32>
    %eq3A_12 = arith.cmpi eq, %slice3A_10, %eq3A_11 : vector<512x1xi32>
    %slice3A_13 = vector.extract_strided_slice %squeeze3A {offsets = [0, 0], sizes = [512, 32], strides = [1, 1]} : vector<512x128xf32> to vector<512x32xf32>
    %jit3A = arith.constant 0.000000e+00 : f32
    %broadcast_in_dim3A = vector.shape_cast %eq3A_12 : vector<512x1xi1> to vector<512x1xi1>
    %broadcast_in_dim3A_14 = vector.broadcast %broadcast_in_dim3A : vector<512x1xi1> to vector<512x32xi1>
    %broadcast_in_dim3A_15 = vector.broadcast %jit3A : f32 to vector<512x32xf32>
    %select_n3A = arith.select %broadcast_in_dim3A_14, %slice3A_13, %broadcast_in_dim3A_15 : vector<512x32xi1>, vector<512x32xf32>
    %eq3A_16 = arith.constant 1 : i32
    %eq3A_17 = vector.broadcast %eq3A_16 : i32 to vector<512x1xi32>
    %eq3A_18 = arith.cmpi eq, %slice3A_10, %eq3A_17 : vector<512x1xi32>
    %slice3A_19 = vector.extract_strided_slice %squeeze3A {offsets = [0, 32], sizes = [512, 32], strides = [1, 1]} : vector<512x128xf32> to vector<512x32xf32>
    %jit3A_20 = arith.constant 0.000000e+00 : f32
    %broadcast_in_dim3A_21 = vector.shape_cast %eq3A_18 : vector<512x1xi1> to vector<512x1xi1>
    %broadcast_in_dim3A_22 = vector.broadcast %broadcast_in_dim3A_21 : vector<512x1xi1> to vector<512x32xi1>
    %broadcast_in_dim3A_23 = vector.broadcast %jit3A_20 : f32 to vector<512x32xf32>
    %select_n3A_24 = arith.select %broadcast_in_dim3A_22, %slice3A_19, %broadcast_in_dim3A_23 : vector<512x32xi1>, vector<512x32xf32>
    %add3A = arith.addf %select_n3A, %select_n3A_24 : vector<512x32xf32>
    %eq3A_25 = arith.constant 2 : i32
    %eq3A_26 = vector.broadcast %eq3A_25 : i32 to vector<512x1xi32>
    %eq3A_27 = arith.cmpi eq, %slice3A_10, %eq3A_26 : vector<512x1xi32>
    %slice3A_28 = vector.extract_strided_slice %squeeze3A {offsets = [0, 64], sizes = [512, 32], strides = [1, 1]} : vector<512x128xf32> to vector<512x32xf32>
    %jit3A_29 = arith.constant 0.000000e+00 : f32
    %broadcast_in_dim3A_30 = vector.shape_cast %eq3A_27 : vector<512x1xi1> to vector<512x1xi1>
    %broadcast_in_dim3A_31 = vector.broadcast %broadcast_in_dim3A_30 : vector<512x1xi1> to vector<512x32xi1>
    %broadcast_in_dim3A_32 = vector.broadcast %jit3A_29 : f32 to vector<512x32xf32>
    %select_n3A_33 = arith.select %broadcast_in_dim3A_31, %slice3A_28, %broadcast_in_dim3A_32 : vector<512x32xi1>, vector<512x32xf32>
    %add3A_34 = arith.addf %add3A, %select_n3A_33 : vector<512x32xf32>
    %eq3A_35 = arith.constant 3 : i32
    %eq3A_36 = vector.broadcast %eq3A_35 : i32 to vector<512x1xi32>
    %eq3A_37 = arith.cmpi eq, %slice3A_10, %eq3A_36 : vector<512x1xi32>
    %slice3A_38 = vector.extract_strided_slice %squeeze3A {offsets = [0, 96], sizes = [512, 32], strides = [1, 1]} : vector<512x128xf32> to vector<512x32xf32>
    %jit3A_39 = arith.constant 0.000000e+00 : f32
    %broadcast_in_dim3A_40 = vector.shape_cast %eq3A_37 : vector<512x1xi1> to vector<512x1xi1>
    %broadcast_in_dim3A_41 = vector.broadcast %broadcast_in_dim3A_40 : vector<512x1xi1> to vector<512x32xi1>
    %broadcast_in_dim3A_42 = vector.broadcast %jit3A_39 : f32 to vector<512x32xf32>
    %select_n3A_43 = arith.select %broadcast_in_dim3A_41, %slice3A_38, %broadcast_in_dim3A_42 : vector<512x32xi1>, vector<512x32xf32>
    %add3A_44 = arith.addf %add3A_34, %select_n3A_43 : vector<512x32xf32>
    %slice3A_45 = vector.extract_strided_slice %get3A_5 {offsets = [0, 0], sizes = [512, 1], strides = [1, 1]} : vector<512x5xi32> to vector<512x1xi32>
    %slice3A_46 = vector.extract_strided_slice %get3A_5 {offsets = [0, 1], sizes = [512, 1], strides = [1, 1]} : vector<512x5xi32> to vector<512x1xi32>
    %eq3A_47 = arith.cmpi eq, %slice3A_45, %slice3A_46 : vector<512x1xi32>
    %convert_element_type3A = arith.extui %eq3A_47 : vector<512x1xi1> to vector<512x1xi32>
    %convert_element_type3A_48 = arith.sitofp %convert_element_type3A : vector<512x1xi32> to vector<512x1xf32>
    %sub3A = arith.constant 1.000000e+00 : f32
    %sub3A_49 = vector.broadcast %sub3A : f32 to vector<512x1xf32>
    %sub3A_50 = arith.subf %sub3A_49, %convert_element_type3A_48 : vector<512x1xf32>
    %slice3A_51 = vector.extract_strided_slice %get3A_2 {offsets = [1, 0, 0], sizes = [1, 512, 128], strides = [1, 1, 1]} : vector<10x512x128xf32> to vector<1x512x128xf32>
    %squeeze3A_52 = vector.shape_cast %slice3A_51 : vector<1x512x128xf32> to vector<512x128xf32>
    %slice3A_53 = vector.extract_strided_slice %and3A_9 {offsets = [0, 1], sizes = [512, 1], strides = [1, 1]} : vector<512x5xi32> to vector<512x1xi32>
    %eq3A_54 = arith.constant 0 : i32
    %eq3A_55 = vector.broadcast %eq3A_54 : i32 to vector<512x1xi32>
    %eq3A_56 = arith.cmpi eq, %slice3A_53, %eq3A_55 : vector<512x1xi32>
    %slice3A_57 = vector.extract_strided_slice %squeeze3A_52 {offsets = [0, 0], sizes = [512, 32], strides = [1, 1]} : vector<512x128xf32> to vector<512x32xf32>
    %jit3A_58 = arith.constant 0.000000e+00 : f32
    %broadcast_in_dim3A_59 = vector.shape_cast %eq3A_56 : vector<512x1xi1> to vector<512x1xi1>
    %broadcast_in_dim3A_60 = vector.broadcast %broadcast_in_dim3A_59 : vector<512x1xi1> to vector<512x32xi1>
    %broadcast_in_dim3A_61 = vector.broadcast %jit3A_58 : f32 to vector<512x32xf32>
    %select_n3A_62 = arith.select %broadcast_in_dim3A_60, %slice3A_57, %broadcast_in_dim3A_61 : vector<512x32xi1>, vector<512x32xf32>
    %eq3A_63 = arith.constant 1 : i32
    %eq3A_64 = vector.broadcast %eq3A_63 : i32 to vector<512x1xi32>
    %eq3A_65 = arith.cmpi eq, %slice3A_53, %eq3A_64 : vector<512x1xi32>
    %slice3A_66 = vector.extract_strided_slice %squeeze3A_52 {offsets = [0, 32], sizes = [512, 32], strides = [1, 1]} : vector<512x128xf32> to vector<512x32xf32>
    %jit3A_67 = arith.constant 0.000000e+00 : f32
    %broadcast_in_dim3A_68 = vector.shape_cast %eq3A_65 : vector<512x1xi1> to vector<512x1xi1>
    %broadcast_in_dim3A_69 = vector.broadcast %broadcast_in_dim3A_68 : vector<512x1xi1> to vector<512x32xi1>
    %broadcast_in_dim3A_70 = vector.broadcast %jit3A_67 : f32 to vector<512x32xf32>
    %select_n3A_71 = arith.select %broadcast_in_dim3A_69, %slice3A_66, %broadcast_in_dim3A_70 : vector<512x32xi1>, vector<512x32xf32>
    %add3A_72 = arith.addf %select_n3A_62, %select_n3A_71 : vector<512x32xf32>
    %eq3A_73 = arith.constant 2 : i32
    %eq3A_74 = vector.broadcast %eq3A_73 : i32 to vector<512x1xi32>
    %eq3A_75 = arith.cmpi eq, %slice3A_53, %eq3A_74 : vector<512x1xi32>
    %slice3A_76 = vector.extract_strided_slice %squeeze3A_52 {offsets = [0, 64], sizes = [512, 32], strides = [1, 1]} : vector<512x128xf32> to vector<512x32xf32>
    %jit3A_77 = arith.constant 0.000000e+00 : f32
    %broadcast_in_dim3A_78 = vector.shape_cast %eq3A_75 : vector<512x1xi1> to vector<512x1xi1>
    %broadcast_in_dim3A_79 = vector.broadcast %broadcast_in_dim3A_78 : vector<512x1xi1> to vector<512x32xi1>
    %broadcast_in_dim3A_80 = vector.broadcast %jit3A_77 : f32 to vector<512x32xf32>
    %select_n3A_81 = arith.select %broadcast_in_dim3A_79, %slice3A_76, %broadcast_in_dim3A_80 : vector<512x32xi1>, vector<512x32xf32>
    %add3A_82 = arith.addf %add3A_72, %select_n3A_81 : vector<512x32xf32>
    %eq3A_83 = arith.constant 3 : i32
    %eq3A_84 = vector.broadcast %eq3A_83 : i32 to vector<512x1xi32>
    %eq3A_85 = arith.cmpi eq, %slice3A_53, %eq3A_84 : vector<512x1xi32>
    %slice3A_86 = vector.extract_strided_slice %squeeze3A_52 {offsets = [0, 96], sizes = [512, 32], strides = [1, 1]} : vector<512x128xf32> to vector<512x32xf32>
    %jit3A_87 = arith.constant 0.000000e+00 : f32
    %broadcast_in_dim3A_88 = vector.shape_cast %eq3A_85 : vector<512x1xi1> to vector<512x1xi1>
    %broadcast_in_dim3A_89 = vector.broadcast %broadcast_in_dim3A_88 : vector<512x1xi1> to vector<512x32xi1>
    %broadcast_in_dim3A_90 = vector.broadcast %jit3A_87 : f32 to vector<512x32xf32>
    %select_n3A_91 = arith.select %broadcast_in_dim3A_89, %slice3A_86, %broadcast_in_dim3A_90 : vector<512x32xi1>, vector<512x32xf32>
    %add3A_92 = arith.addf %add3A_82, %select_n3A_91 : vector<512x32xf32>
    %mul3A = vector.broadcast %sub3A_50 : vector<512x1xf32> to vector<512x32xf32>
    %mul3A_93 = arith.mulf %mul3A, %add3A_92 : vector<512x32xf32>
    %add3A_94 = arith.addf %add3A_44, %mul3A_93 : vector<512x32xf32>
    %slice3A_95 = vector.extract_strided_slice %get3A_5 {offsets = [0, 0], sizes = [512, 1], strides = [1, 1]} : vector<512x5xi32> to vector<512x1xi32>
    %slice3A_96 = vector.extract_strided_slice %get3A_5 {offsets = [0, 2], sizes = [512, 1], strides = [1, 1]} : vector<512x5xi32> to vector<512x1xi32>
    %eq3A_97 = arith.cmpi eq, %slice3A_95, %slice3A_96 : vector<512x1xi32>
    %convert_element_type3A_98 = arith.extui %eq3A_97 : vector<512x1xi1> to vector<512x1xi32>
    %convert_element_type3A_99 = arith.sitofp %convert_element_type3A_98 : vector<512x1xi32> to vector<512x1xf32>
    %slice3A_100 = vector.extract_strided_slice %get3A_5 {offsets = [0, 1], sizes = [512, 1], strides = [1, 1]} : vector<512x5xi32> to vector<512x1xi32>
    %slice3A_101 = vector.extract_strided_slice %get3A_5 {offsets = [0, 2], sizes = [512, 1], strides = [1, 1]} : vector<512x5xi32> to vector<512x1xi32>
    %eq3A_102 = arith.cmpi eq, %slice3A_100, %slice3A_101 : vector<512x1xi32>
    %convert_element_type3A_103 = arith.extui %eq3A_102 : vector<512x1xi1> to vector<512x1xi32>
    %convert_element_type3A_104 = arith.sitofp %convert_element_type3A_103 : vector<512x1xi32> to vector<512x1xf32>
    %max3A = arith.maximumf %convert_element_type3A_99, %convert_element_type3A_104 : vector<512x1xf32>
    %sub3A_105 = arith.constant 1.000000e+00 : f32
    %sub3A_106 = vector.broadcast %sub3A_105 : f32 to vector<512x1xf32>
    %sub3A_107 = arith.subf %sub3A_106, %max3A : vector<512x1xf32>
    %slice3A_108 = vector.extract_strided_slice %get3A_2 {offsets = [2, 0, 0], sizes = [1, 512, 128], strides = [1, 1, 1]} : vector<10x512x128xf32> to vector<1x512x128xf32>
    %squeeze3A_109 = vector.shape_cast %slice3A_108 : vector<1x512x128xf32> to vector<512x128xf32>
    %slice3A_110 = vector.extract_strided_slice %and3A_9 {offsets = [0, 2], sizes = [512, 1], strides = [1, 1]} : vector<512x5xi32> to vector<512x1xi32>
    %eq3A_111 = arith.constant 0 : i32
    %eq3A_112 = vector.broadcast %eq3A_111 : i32 to vector<512x1xi32>
    %eq3A_113 = arith.cmpi eq, %slice3A_110, %eq3A_112 : vector<512x1xi32>
    %slice3A_114 = vector.extract_strided_slice %squeeze3A_109 {offsets = [0, 0], sizes = [512, 32], strides = [1, 1]} : vector<512x128xf32> to vector<512x32xf32>
    %jit3A_115 = arith.constant 0.000000e+00 : f32
    %broadcast_in_dim3A_116 = vector.shape_cast %eq3A_113 : vector<512x1xi1> to vector<512x1xi1>
    %broadcast_in_dim3A_117 = vector.broadcast %broadcast_in_dim3A_116 : vector<512x1xi1> to vector<512x32xi1>
    %broadcast_in_dim3A_118 = vector.broadcast %jit3A_115 : f32 to vector<512x32xf32>
    %select_n3A_119 = arith.select %broadcast_in_dim3A_117, %slice3A_114, %broadcast_in_dim3A_118 : vector<512x32xi1>, vector<512x32xf32>
    %eq3A_120 = arith.constant 1 : i32
    %eq3A_121 = vector.broadcast %eq3A_120 : i32 to vector<512x1xi32>
    %eq3A_122 = arith.cmpi eq, %slice3A_110, %eq3A_121 : vector<512x1xi32>
    %slice3A_123 = vector.extract_strided_slice %squeeze3A_109 {offsets = [0, 32], sizes = [512, 32], strides = [1, 1]} : vector<512x128xf32> to vector<512x32xf32>
    %jit3A_124 = arith.constant 0.000000e+00 : f32
    %broadcast_in_dim3A_125 = vector.shape_cast %eq3A_122 : vector<512x1xi1> to vector<512x1xi1>
    %broadcast_in_dim3A_126 = vector.broadcast %broadcast_in_dim3A_125 : vector<512x1xi1> to vector<512x32xi1>
    %broadcast_in_dim3A_127 = vector.broadcast %jit3A_124 : f32 to vector<512x32xf32>
    %select_n3A_128 = arith.select %broadcast_in_dim3A_126, %slice3A_123, %broadcast_in_dim3A_127 : vector<512x32xi1>, vector<512x32xf32>
    %add3A_129 = arith.addf %select_n3A_119, %select_n3A_128 : vector<512x32xf32>
    %eq3A_130 = arith.constant 2 : i32
    %eq3A_131 = vector.broadcast %eq3A_130 : i32 to vector<512x1xi32>
    %eq3A_132 = arith.cmpi eq, %slice3A_110, %eq3A_131 : vector<512x1xi32>
    %slice3A_133 = vector.extract_strided_slice %squeeze3A_109 {offsets = [0, 64], sizes = [512, 32], strides = [1, 1]} : vector<512x128xf32> to vector<512x32xf32>
    %jit3A_134 = arith.constant 0.000000e+00 : f32
    %broadcast_in_dim3A_135 = vector.shape_cast %eq3A_132 : vector<512x1xi1> to vector<512x1xi1>
    %broadcast_in_dim3A_136 = vector.broadcast %broadcast_in_dim3A_135 : vector<512x1xi1> to vector<512x32xi1>
    %broadcast_in_dim3A_137 = vector.broadcast %jit3A_134 : f32 to vector<512x32xf32>
    %select_n3A_138 = arith.select %broadcast_in_dim3A_136, %slice3A_133, %broadcast_in_dim3A_137 : vector<512x32xi1>, vector<512x32xf32>
    %add3A_139 = arith.addf %add3A_129, %select_n3A_138 : vector<512x32xf32>
    %eq3A_140 = arith.constant 3 : i32
    %eq3A_141 = vector.broadcast %eq3A_140 : i32 to vector<512x1xi32>
    %eq3A_142 = arith.cmpi eq, %slice3A_110, %eq3A_141 : vector<512x1xi32>
    %slice3A_143 = vector.extract_strided_slice %squeeze3A_109 {offsets = [0, 96], sizes = [512, 32], strides = [1, 1]} : vector<512x128xf32> to vector<512x32xf32>
    %jit3A_144 = arith.constant 0.000000e+00 : f32
    %broadcast_in_dim3A_145 = vector.shape_cast %eq3A_142 : vector<512x1xi1> to vector<512x1xi1>
    %broadcast_in_dim3A_146 = vector.broadcast %broadcast_in_dim3A_145 : vector<512x1xi1> to vector<512x32xi1>
    %broadcast_in_dim3A_147 = vector.broadcast %jit3A_144 : f32 to vector<512x32xf32>
    %select_n3A_148 = arith.select %broadcast_in_dim3A_146, %slice3A_143, %broadcast_in_dim3A_147 : vector<512x32xi1>, vector<512x32xf32>
    %add3A_149 = arith.addf %add3A_139, %select_n3A_148 : vector<512x32xf32>
    %mul3A_150 = vector.broadcast %sub3A_107 : vector<512x1xf32> to vector<512x32xf32>
    %mul3A_151 = arith.mulf %mul3A_150, %add3A_149 : vector<512x32xf32>
    %add3A_152 = arith.addf %add3A_94, %mul3A_151 : vector<512x32xf32>
    %slice3A_153 = vector.extract_strided_slice %get3A_5 {offsets = [0, 0], sizes = [512, 1], strides = [1, 1]} : vector<512x5xi32> to vector<512x1xi32>
    %slice3A_154 = vector.extract_strided_slice %get3A_5 {offsets = [0, 3], sizes = [512, 1], strides = [1, 1]} : vector<512x5xi32> to vector<512x1xi32>
    %eq3A_155 = arith.cmpi eq, %slice3A_153, %slice3A_154 : vector<512x1xi32>
    %convert_element_type3A_156 = arith.extui %eq3A_155 : vector<512x1xi1> to vector<512x1xi32>
    %convert_element_type3A_157 = arith.sitofp %convert_element_type3A_156 : vector<512x1xi32> to vector<512x1xf32>
    %slice3A_158 = vector.extract_strided_slice %get3A_5 {offsets = [0, 1], sizes = [512, 1], strides = [1, 1]} : vector<512x5xi32> to vector<512x1xi32>
    %slice3A_159 = vector.extract_strided_slice %get3A_5 {offsets = [0, 3], sizes = [512, 1], strides = [1, 1]} : vector<512x5xi32> to vector<512x1xi32>
    %eq3A_160 = arith.cmpi eq, %slice3A_158, %slice3A_159 : vector<512x1xi32>
    %convert_element_type3A_161 = arith.extui %eq3A_160 : vector<512x1xi1> to vector<512x1xi32>
    %convert_element_type3A_162 = arith.sitofp %convert_element_type3A_161 : vector<512x1xi32> to vector<512x1xf32>
    %max3A_163 = arith.maximumf %convert_element_type3A_157, %convert_element_type3A_162 : vector<512x1xf32>
    %slice3A_164 = vector.extract_strided_slice %get3A_5 {offsets = [0, 2], sizes = [512, 1], strides = [1, 1]} : vector<512x5xi32> to vector<512x1xi32>
    %slice3A_165 = vector.extract_strided_slice %get3A_5 {offsets = [0, 3], sizes = [512, 1], strides = [1, 1]} : vector<512x5xi32> to vector<512x1xi32>
    %eq3A_166 = arith.cmpi eq, %slice3A_164, %slice3A_165 : vector<512x1xi32>
    %convert_element_type3A_167 = arith.extui %eq3A_166 : vector<512x1xi1> to vector<512x1xi32>
    %convert_element_type3A_168 = arith.sitofp %convert_element_type3A_167 : vector<512x1xi32> to vector<512x1xf32>
    %max3A_169 = arith.maximumf %max3A_163, %convert_element_type3A_168 : vector<512x1xf32>
    %sub3A_170 = arith.constant 1.000000e+00 : f32
    %sub3A_171 = vector.broadcast %sub3A_170 : f32 to vector<512x1xf32>
    %sub3A_172 = arith.subf %sub3A_171, %max3A_169 : vector<512x1xf32>
    %slice3A_173 = vector.extract_strided_slice %get3A_2 {offsets = [3, 0, 0], sizes = [1, 512, 128], strides = [1, 1, 1]} : vector<10x512x128xf32> to vector<1x512x128xf32>
    %squeeze3A_174 = vector.shape_cast %slice3A_173 : vector<1x512x128xf32> to vector<512x128xf32>
    %slice3A_175 = vector.extract_strided_slice %and3A_9 {offsets = [0, 3], sizes = [512, 1], strides = [1, 1]} : vector<512x5xi32> to vector<512x1xi32>
    %eq3A_176 = arith.constant 0 : i32
    %eq3A_177 = vector.broadcast %eq3A_176 : i32 to vector<512x1xi32>
    %eq3A_178 = arith.cmpi eq, %slice3A_175, %eq3A_177 : vector<512x1xi32>
    %slice3A_179 = vector.extract_strided_slice %squeeze3A_174 {offsets = [0, 0], sizes = [512, 32], strides = [1, 1]} : vector<512x128xf32> to vector<512x32xf32>
    %jit3A_180 = arith.constant 0.000000e+00 : f32
    %broadcast_in_dim3A_181 = vector.shape_cast %eq3A_178 : vector<512x1xi1> to vector<512x1xi1>
    %broadcast_in_dim3A_182 = vector.broadcast %broadcast_in_dim3A_181 : vector<512x1xi1> to vector<512x32xi1>
    %broadcast_in_dim3A_183 = vector.broadcast %jit3A_180 : f32 to vector<512x32xf32>
    %select_n3A_184 = arith.select %broadcast_in_dim3A_182, %slice3A_179, %broadcast_in_dim3A_183 : vector<512x32xi1>, vector<512x32xf32>
    %eq3A_185 = arith.constant 1 : i32
    %eq3A_186 = vector.broadcast %eq3A_185 : i32 to vector<512x1xi32>
    %eq3A_187 = arith.cmpi eq, %slice3A_175, %eq3A_186 : vector<512x1xi32>
    %slice3A_188 = vector.extract_strided_slice %squeeze3A_174 {offsets = [0, 32], sizes = [512, 32], strides = [1, 1]} : vector<512x128xf32> to vector<512x32xf32>
    %jit3A_189 = arith.constant 0.000000e+00 : f32
    %broadcast_in_dim3A_190 = vector.shape_cast %eq3A_187 : vector<512x1xi1> to vector<512x1xi1>
    %broadcast_in_dim3A_191 = vector.broadcast %broadcast_in_dim3A_190 : vector<512x1xi1> to vector<512x32xi1>
    %broadcast_in_dim3A_192 = vector.broadcast %jit3A_189 : f32 to vector<512x32xf32>
    %select_n3A_193 = arith.select %broadcast_in_dim3A_191, %slice3A_188, %broadcast_in_dim3A_192 : vector<512x32xi1>, vector<512x32xf32>
    %add3A_194 = arith.addf %select_n3A_184, %select_n3A_193 : vector<512x32xf32>
    %eq3A_195 = arith.constant 2 : i32
    %eq3A_196 = vector.broadcast %eq3A_195 : i32 to vector<512x1xi32>
    %eq3A_197 = arith.cmpi eq, %slice3A_175, %eq3A_196 : vector<512x1xi32>
    %slice3A_198 = vector.extract_strided_slice %squeeze3A_174 {offsets = [0, 64], sizes = [512, 32], strides = [1, 1]} : vector<512x128xf32> to vector<512x32xf32>
    %jit3A_199 = arith.constant 0.000000e+00 : f32
    %broadcast_in_dim3A_200 = vector.shape_cast %eq3A_197 : vector<512x1xi1> to vector<512x1xi1>
    %broadcast_in_dim3A_201 = vector.broadcast %broadcast_in_dim3A_200 : vector<512x1xi1> to vector<512x32xi1>
    %broadcast_in_dim3A_202 = vector.broadcast %jit3A_199 : f32 to vector<512x32xf32>
    %select_n3A_203 = arith.select %broadcast_in_dim3A_201, %slice3A_198, %broadcast_in_dim3A_202 : vector<512x32xi1>, vector<512x32xf32>
    %add3A_204 = arith.addf %add3A_194, %select_n3A_203 : vector<512x32xf32>
    %eq3A_205 = arith.constant 3 : i32
    %eq3A_206 = vector.broadcast %eq3A_205 : i32 to vector<512x1xi32>
    %eq3A_207 = arith.cmpi eq, %slice3A_175, %eq3A_206 : vector<512x1xi32>
    %slice3A_208 = vector.extract_strided_slice %squeeze3A_174 {offsets = [0, 96], sizes = [512, 32], strides = [1, 1]} : vector<512x128xf32> to vector<512x32xf32>
    %jit3A_209 = arith.constant 0.000000e+00 : f32
    %broadcast_in_dim3A_210 = vector.shape_cast %eq3A_207 : vector<512x1xi1> to vector<512x1xi1>
    %broadcast_in_dim3A_211 = vector.broadcast %broadcast_in_dim3A_210 : vector<512x1xi1> to vector<512x32xi1>
    %broadcast_in_dim3A_212 = vector.broadcast %jit3A_209 : f32 to vector<512x32xf32>
    %select_n3A_213 = arith.select %broadcast_in_dim3A_211, %slice3A_208, %broadcast_in_dim3A_212 : vector<512x32xi1>, vector<512x32xf32>
    %add3A_214 = arith.addf %add3A_204, %select_n3A_213 : vector<512x32xf32>
    %mul3A_215 = vector.broadcast %sub3A_172 : vector<512x1xf32> to vector<512x32xf32>
    %mul3A_216 = arith.mulf %mul3A_215, %add3A_214 : vector<512x32xf32>
    %add3A_217 = arith.addf %add3A_152, %mul3A_216 : vector<512x32xf32>
    %slice3A_218 = vector.extract_strided_slice %get3A_5 {offsets = [0, 0], sizes = [512, 1], strides = [1, 1]} : vector<512x5xi32> to vector<512x1xi32>
    %slice3A_219 = vector.extract_strided_slice %get3A_5 {offsets = [0, 4], sizes = [512, 1], strides = [1, 1]} : vector<512x5xi32> to vector<512x1xi32>
    %eq3A_220 = arith.cmpi eq, %slice3A_218, %slice3A_219 : vector<512x1xi32>
    %convert_element_type3A_221 = arith.extui %eq3A_220 : vector<512x1xi1> to vector<512x1xi32>
    %convert_element_type3A_222 = arith.sitofp %convert_element_type3A_221 : vector<512x1xi32> to vector<512x1xf32>
    %slice3A_223 = vector.extract_strided_slice %get3A_5 {offsets = [0, 1], sizes = [512, 1], strides = [1, 1]} : vector<512x5xi32> to vector<512x1xi32>
    %slice3A_224 = vector.extract_strided_slice %get3A_5 {offsets = [0, 4], sizes = [512, 1], strides = [1, 1]} : vector<512x5xi32> to vector<512x1xi32>
    %eq3A_225 = arith.cmpi eq, %slice3A_223, %slice3A_224 : vector<512x1xi32>
    %convert_element_type3A_226 = arith.extui %eq3A_225 : vector<512x1xi1> to vector<512x1xi32>
    %convert_element_type3A_227 = arith.sitofp %convert_element_type3A_226 : vector<512x1xi32> to vector<512x1xf32>
    %max3A_228 = arith.maximumf %convert_element_type3A_222, %convert_element_type3A_227 : vector<512x1xf32>
    %slice3A_229 = vector.extract_strided_slice %get3A_5 {offsets = [0, 2], sizes = [512, 1], strides = [1, 1]} : vector<512x5xi32> to vector<512x1xi32>
    %slice3A_230 = vector.extract_strided_slice %get3A_5 {offsets = [0, 4], sizes = [512, 1], strides = [1, 1]} : vector<512x5xi32> to vector<512x1xi32>
    %eq3A_231 = arith.cmpi eq, %slice3A_229, %slice3A_230 : vector<512x1xi32>
    %convert_element_type3A_232 = arith.extui %eq3A_231 : vector<512x1xi1> to vector<512x1xi32>
    %convert_element_type3A_233 = arith.sitofp %convert_element_type3A_232 : vector<512x1xi32> to vector<512x1xf32>
    %max3A_234 = arith.maximumf %max3A_228, %convert_element_type3A_233 : vector<512x1xf32>
    %slice3A_235 = vector.extract_strided_slice %get3A_5 {offsets = [0, 3], sizes = [512, 1], strides = [1, 1]} : vector<512x5xi32> to vector<512x1xi32>
    %slice3A_236 = vector.extract_strided_slice %get3A_5 {offsets = [0, 4], sizes = [512, 1], strides = [1, 1]} : vector<512x5xi32> to vector<512x1xi32>
    %eq3A_237 = arith.cmpi eq, %slice3A_235, %slice3A_236 : vector<512x1xi32>
    %convert_element_type3A_238 = arith.extui %eq3A_237 : vector<512x1xi1> to vector<512x1xi32>
    %convert_element_type3A_239 = arith.sitofp %convert_element_type3A_238 : vector<512x1xi32> to vector<512x1xf32>
    %max3A_240 = arith.maximumf %max3A_234, %convert_element_type3A_239 : vector<512x1xf32>
    %sub3A_241 = arith.constant 1.000000e+00 : f32
    %sub3A_242 = vector.broadcast %sub3A_241 : f32 to vector<512x1xf32>
    %sub3A_243 = arith.subf %sub3A_242, %max3A_240 : vector<512x1xf32>
    %slice3A_244 = vector.extract_strided_slice %get3A_2 {offsets = [4, 0, 0], sizes = [1, 512, 128], strides = [1, 1, 1]} : vector<10x512x128xf32> to vector<1x512x128xf32>
    %squeeze3A_245 = vector.shape_cast %slice3A_244 : vector<1x512x128xf32> to vector<512x128xf32>
    %slice3A_246 = vector.extract_strided_slice %and3A_9 {offsets = [0, 4], sizes = [512, 1], strides = [1, 1]} : vector<512x5xi32> to vector<512x1xi32>
    %eq3A_247 = arith.constant 0 : i32
    %eq3A_248 = vector.broadcast %eq3A_247 : i32 to vector<512x1xi32>
    %eq3A_249 = arith.cmpi eq, %slice3A_246, %eq3A_248 : vector<512x1xi32>
    %slice3A_250 = vector.extract_strided_slice %squeeze3A_245 {offsets = [0, 0], sizes = [512, 32], strides = [1, 1]} : vector<512x128xf32> to vector<512x32xf32>
    %jit3A_251 = arith.constant 0.000000e+00 : f32
    %broadcast_in_dim3A_252 = vector.shape_cast %eq3A_249 : vector<512x1xi1> to vector<512x1xi1>
    %broadcast_in_dim3A_253 = vector.broadcast %broadcast_in_dim3A_252 : vector<512x1xi1> to vector<512x32xi1>
    %broadcast_in_dim3A_254 = vector.broadcast %jit3A_251 : f32 to vector<512x32xf32>
    %select_n3A_255 = arith.select %broadcast_in_dim3A_253, %slice3A_250, %broadcast_in_dim3A_254 : vector<512x32xi1>, vector<512x32xf32>
    %eq3A_256 = arith.constant 1 : i32
    %eq3A_257 = vector.broadcast %eq3A_256 : i32 to vector<512x1xi32>
    %eq3A_258 = arith.cmpi eq, %slice3A_246, %eq3A_257 : vector<512x1xi32>
    %slice3A_259 = vector.extract_strided_slice %squeeze3A_245 {offsets = [0, 32], sizes = [512, 32], strides = [1, 1]} : vector<512x128xf32> to vector<512x32xf32>
    %jit3A_260 = arith.constant 0.000000e+00 : f32
    %broadcast_in_dim3A_261 = vector.shape_cast %eq3A_258 : vector<512x1xi1> to vector<512x1xi1>
    %broadcast_in_dim3A_262 = vector.broadcast %broadcast_in_dim3A_261 : vector<512x1xi1> to vector<512x32xi1>
    %broadcast_in_dim3A_263 = vector.broadcast %jit3A_260 : f32 to vector<512x32xf32>
    %select_n3A_264 = arith.select %broadcast_in_dim3A_262, %slice3A_259, %broadcast_in_dim3A_263 : vector<512x32xi1>, vector<512x32xf32>
    %add3A_265 = arith.addf %select_n3A_255, %select_n3A_264 : vector<512x32xf32>
    %eq3A_266 = arith.constant 2 : i32
    %eq3A_267 = vector.broadcast %eq3A_266 : i32 to vector<512x1xi32>
    %eq3A_268 = arith.cmpi eq, %slice3A_246, %eq3A_267 : vector<512x1xi32>
    %slice3A_269 = vector.extract_strided_slice %squeeze3A_245 {offsets = [0, 64], sizes = [512, 32], strides = [1, 1]} : vector<512x128xf32> to vector<512x32xf32>
    %jit3A_270 = arith.constant 0.000000e+00 : f32
    %broadcast_in_dim3A_271 = vector.shape_cast %eq3A_268 : vector<512x1xi1> to vector<512x1xi1>
    %broadcast_in_dim3A_272 = vector.broadcast %broadcast_in_dim3A_271 : vector<512x1xi1> to vector<512x32xi1>
    %broadcast_in_dim3A_273 = vector.broadcast %jit3A_270 : f32 to vector<512x32xf32>
    %select_n3A_274 = arith.select %broadcast_in_dim3A_272, %slice3A_269, %broadcast_in_dim3A_273 : vector<512x32xi1>, vector<512x32xf32>
    %add3A_275 = arith.addf %add3A_265, %select_n3A_274 : vector<512x32xf32>
    %eq3A_276 = arith.constant 3 : i32
    %eq3A_277 = vector.broadcast %eq3A_276 : i32 to vector<512x1xi32>
    %eq3A_278 = arith.cmpi eq, %slice3A_246, %eq3A_277 : vector<512x1xi32>
    %slice3A_279 = vector.extract_strided_slice %squeeze3A_245 {offsets = [0, 96], sizes = [512, 32], strides = [1, 1]} : vector<512x128xf32> to vector<512x32xf32>
    %jit3A_280 = arith.constant 0.000000e+00 : f32
    %broadcast_in_dim3A_281 = vector.shape_cast %eq3A_278 : vector<512x1xi1> to vector<512x1xi1>
    %broadcast_in_dim3A_282 = vector.broadcast %broadcast_in_dim3A_281 : vector<512x1xi1> to vector<512x32xi1>
    %broadcast_in_dim3A_283 = vector.broadcast %jit3A_280 : f32 to vector<512x32xf32>
    %select_n3A_284 = arith.select %broadcast_in_dim3A_282, %slice3A_279, %broadcast_in_dim3A_283 : vector<512x32xi1>, vector<512x32xf32>
    %add3A_285 = arith.addf %add3A_275, %select_n3A_284 : vector<512x32xf32>
    %mul3A_286 = vector.broadcast %sub3A_243 : vector<512x1xf32> to vector<512x32xf32>
    %mul3A_287 = arith.mulf %mul3A_286, %add3A_285 : vector<512x32xf32>
    %add3A_288 = arith.addf %add3A_217, %mul3A_287 : vector<512x32xf32>
    %get3A_289 = arith.constant 0 : index
    %get3A_290 = arith.constant 0 : index
    %get3A_291 = vector.load %arg6[%get3A_289, %get3A_290] : memref<512x32xf32, #tpu.memory_space<vmem>>, vector<512x32xf32>
    %add3A_292 = arith.addf %add3A_288, %get3A_291 : vector<512x32xf32>
    %get3A_293 = arith.constant 0 : index
    %get3A_294 = arith.constant 0 : index
    %get3A_295 = vector.load %arg5[%get3A_293, %get3A_294] : memref<512x5xi32, #tpu.memory_space<vmem>>, vector<512x5xi32>
    %shift_right_arithmetic3A_296 = arith.constant 7 : i32
    %shift_right_arithmetic3A_297 = vector.broadcast %shift_right_arithmetic3A_296 : i32 to vector<512x5xi32>
    %shift_right_arithmetic3A_298 = arith.shrsi %get3A_295, %shift_right_arithmetic3A_297 : vector<512x5xi32>
    %and3A_299 = arith.constant 3 : i32
    %and3A_300 = vector.broadcast %and3A_299 : i32 to vector<512x5xi32>
    %and3A_301 = arith.andi %shift_right_arithmetic3A_298, %and3A_300 : vector<512x5xi32>
    %slice3A_302 = vector.extract_strided_slice %get3A_2 {offsets = [5, 0, 0], sizes = [1, 512, 128], strides = [1, 1, 1]} : vector<10x512x128xf32> to vector<1x512x128xf32>
    %squeeze3A_303 = vector.shape_cast %slice3A_302 : vector<1x512x128xf32> to vector<512x128xf32>
    %slice3A_304 = vector.extract_strided_slice %and3A_301 {offsets = [0, 0], sizes = [512, 1], strides = [1, 1]} : vector<512x5xi32> to vector<512x1xi32>
    %eq3A_305 = arith.constant 0 : i32
    %eq3A_306 = vector.broadcast %eq3A_305 : i32 to vector<512x1xi32>
    %eq3A_307 = arith.cmpi eq, %slice3A_304, %eq3A_306 : vector<512x1xi32>
    %slice3A_308 = vector.extract_strided_slice %squeeze3A_303 {offsets = [0, 0], sizes = [512, 32], strides = [1, 1]} : vector<512x128xf32> to vector<512x32xf32>
    %jit3A_309 = arith.constant 0.000000e+00 : f32
    %broadcast_in_dim3A_310 = vector.shape_cast %eq3A_307 : vector<512x1xi1> to vector<512x1xi1>
    %broadcast_in_dim3A_311 = vector.broadcast %broadcast_in_dim3A_310 : vector<512x1xi1> to vector<512x32xi1>
    %broadcast_in_dim3A_312 = vector.broadcast %jit3A_309 : f32 to vector<512x32xf32>
    %select_n3A_313 = arith.select %broadcast_in_dim3A_311, %slice3A_308, %broadcast_in_dim3A_312 : vector<512x32xi1>, vector<512x32xf32>
    %eq3A_314 = arith.constant 1 : i32
    %eq3A_315 = vector.broadcast %eq3A_314 : i32 to vector<512x1xi32>
    %eq3A_316 = arith.cmpi eq, %slice3A_304, %eq3A_315 : vector<512x1xi32>
    %slice3A_317 = vector.extract_strided_slice %squeeze3A_303 {offsets = [0, 32], sizes = [512, 32], strides = [1, 1]} : vector<512x128xf32> to vector<512x32xf32>
    %jit3A_318 = arith.constant 0.000000e+00 : f32
    %broadcast_in_dim3A_319 = vector.shape_cast %eq3A_316 : vector<512x1xi1> to vector<512x1xi1>
    %broadcast_in_dim3A_320 = vector.broadcast %broadcast_in_dim3A_319 : vector<512x1xi1> to vector<512x32xi1>
    %broadcast_in_dim3A_321 = vector.broadcast %jit3A_318 : f32 to vector<512x32xf32>
    %select_n3A_322 = arith.select %broadcast_in_dim3A_320, %slice3A_317, %broadcast_in_dim3A_321 : vector<512x32xi1>, vector<512x32xf32>
    %add3A_323 = arith.addf %select_n3A_313, %select_n3A_322 : vector<512x32xf32>
    %eq3A_324 = arith.constant 2 : i32
    %eq3A_325 = vector.broadcast %eq3A_324 : i32 to vector<512x1xi32>
    %eq3A_326 = arith.cmpi eq, %slice3A_304, %eq3A_325 : vector<512x1xi32>
    %slice3A_327 = vector.extract_strided_slice %squeeze3A_303 {offsets = [0, 64], sizes = [512, 32], strides = [1, 1]} : vector<512x128xf32> to vector<512x32xf32>
    %jit3A_328 = arith.constant 0.000000e+00 : f32
    %broadcast_in_dim3A_329 = vector.shape_cast %eq3A_326 : vector<512x1xi1> to vector<512x1xi1>
    %broadcast_in_dim3A_330 = vector.broadcast %broadcast_in_dim3A_329 : vector<512x1xi1> to vector<512x32xi1>
    %broadcast_in_dim3A_331 = vector.broadcast %jit3A_328 : f32 to vector<512x32xf32>
    %select_n3A_332 = arith.select %broadcast_in_dim3A_330, %slice3A_327, %broadcast_in_dim3A_331 : vector<512x32xi1>, vector<512x32xf32>
    %add3A_333 = arith.addf %add3A_323, %select_n3A_332 : vector<512x32xf32>
    %eq3A_334 = arith.constant 3 : i32
    %eq3A_335 = vector.broadcast %eq3A_334 : i32 to vector<512x1xi32>
    %eq3A_336 = arith.cmpi eq, %slice3A_304, %eq3A_335 : vector<512x1xi32>
    %slice3A_337 = vector.extract_strided_slice %squeeze3A_303 {offsets = [0, 96], sizes = [512, 32], strides = [1, 1]} : vector<512x128xf32> to vector<512x32xf32>
    %jit3A_338 = arith.constant 0.000000e+00 : f32
    %broadcast_in_dim3A_339 = vector.shape_cast %eq3A_336 : vector<512x1xi1> to vector<512x1xi1>
    %broadcast_in_dim3A_340 = vector.broadcast %broadcast_in_dim3A_339 : vector<512x1xi1> to vector<512x32xi1>
    %broadcast_in_dim3A_341 = vector.broadcast %jit3A_338 : f32 to vector<512x32xf32>
    %select_n3A_342 = arith.select %broadcast_in_dim3A_340, %slice3A_337, %broadcast_in_dim3A_341 : vector<512x32xi1>, vector<512x32xf32>
    %add3A_343 = arith.addf %add3A_333, %select_n3A_342 : vector<512x32xf32>
    %slice3A_344 = vector.extract_strided_slice %get3A_295 {offsets = [0, 0], sizes = [512, 1], strides = [1, 1]} : vector<512x5xi32> to vector<512x1xi32>
    %slice3A_345 = vector.extract_strided_slice %get3A_295 {offsets = [0, 1], sizes = [512, 1], strides = [1, 1]} : vector<512x5xi32> to vector<512x1xi32>
    %eq3A_346 = arith.cmpi eq, %slice3A_344, %slice3A_345 : vector<512x1xi32>
    %convert_element_type3A_347 = arith.extui %eq3A_346 : vector<512x1xi1> to vector<512x1xi32>
    %convert_element_type3A_348 = arith.sitofp %convert_element_type3A_347 : vector<512x1xi32> to vector<512x1xf32>
    %sub3A_349 = arith.constant 1.000000e+00 : f32
    %sub3A_350 = vector.broadcast %sub3A_349 : f32 to vector<512x1xf32>
    %sub3A_351 = arith.subf %sub3A_350, %convert_element_type3A_348 : vector<512x1xf32>
    %slice3A_352 = vector.extract_strided_slice %get3A_2 {offsets = [6, 0, 0], sizes = [1, 512, 128], strides = [1, 1, 1]} : vector<10x512x128xf32> to vector<1x512x128xf32>
    %squeeze3A_353 = vector.shape_cast %slice3A_352 : vector<1x512x128xf32> to vector<512x128xf32>
    %slice3A_354 = vector.extract_strided_slice %and3A_301 {offsets = [0, 1], sizes = [512, 1], strides = [1, 1]} : vector<512x5xi32> to vector<512x1xi32>
    %eq3A_355 = arith.constant 0 : i32
    %eq3A_356 = vector.broadcast %eq3A_355 : i32 to vector<512x1xi32>
    %eq3A_357 = arith.cmpi eq, %slice3A_354, %eq3A_356 : vector<512x1xi32>
    %slice3A_358 = vector.extract_strided_slice %squeeze3A_353 {offsets = [0, 0], sizes = [512, 32], strides = [1, 1]} : vector<512x128xf32> to vector<512x32xf32>
    %jit3A_359 = arith.constant 0.000000e+00 : f32
    %broadcast_in_dim3A_360 = vector.shape_cast %eq3A_357 : vector<512x1xi1> to vector<512x1xi1>
    %broadcast_in_dim3A_361 = vector.broadcast %broadcast_in_dim3A_360 : vector<512x1xi1> to vector<512x32xi1>
    %broadcast_in_dim3A_362 = vector.broadcast %jit3A_359 : f32 to vector<512x32xf32>
    %select_n3A_363 = arith.select %broadcast_in_dim3A_361, %slice3A_358, %broadcast_in_dim3A_362 : vector<512x32xi1>, vector<512x32xf32>
    %eq3A_364 = arith.constant 1 : i32
    %eq3A_365 = vector.broadcast %eq3A_364 : i32 to vector<512x1xi32>
    %eq3A_366 = arith.cmpi eq, %slice3A_354, %eq3A_365 : vector<512x1xi32>
    %slice3A_367 = vector.extract_strided_slice %squeeze3A_353 {offsets = [0, 32], sizes = [512, 32], strides = [1, 1]} : vector<512x128xf32> to vector<512x32xf32>
    %jit3A_368 = arith.constant 0.000000e+00 : f32
    %broadcast_in_dim3A_369 = vector.shape_cast %eq3A_366 : vector<512x1xi1> to vector<512x1xi1>
    %broadcast_in_dim3A_370 = vector.broadcast %broadcast_in_dim3A_369 : vector<512x1xi1> to vector<512x32xi1>
    %broadcast_in_dim3A_371 = vector.broadcast %jit3A_368 : f32 to vector<512x32xf32>
    %select_n3A_372 = arith.select %broadcast_in_dim3A_370, %slice3A_367, %broadcast_in_dim3A_371 : vector<512x32xi1>, vector<512x32xf32>
    %add3A_373 = arith.addf %select_n3A_363, %select_n3A_372 : vector<512x32xf32>
    %eq3A_374 = arith.constant 2 : i32
    %eq3A_375 = vector.broadcast %eq3A_374 : i32 to vector<512x1xi32>
    %eq3A_376 = arith.cmpi eq, %slice3A_354, %eq3A_375 : vector<512x1xi32>
    %slice3A_377 = vector.extract_strided_slice %squeeze3A_353 {offsets = [0, 64], sizes = [512, 32], strides = [1, 1]} : vector<512x128xf32> to vector<512x32xf32>
    %jit3A_378 = arith.constant 0.000000e+00 : f32
    %broadcast_in_dim3A_379 = vector.shape_cast %eq3A_376 : vector<512x1xi1> to vector<512x1xi1>
    %broadcast_in_dim3A_380 = vector.broadcast %broadcast_in_dim3A_379 : vector<512x1xi1> to vector<512x32xi1>
    %broadcast_in_dim3A_381 = vector.broadcast %jit3A_378 : f32 to vector<512x32xf32>
    %select_n3A_382 = arith.select %broadcast_in_dim3A_380, %slice3A_377, %broadcast_in_dim3A_381 : vector<512x32xi1>, vector<512x32xf32>
    %add3A_383 = arith.addf %add3A_373, %select_n3A_382 : vector<512x32xf32>
    %eq3A_384 = arith.constant 3 : i32
    %eq3A_385 = vector.broadcast %eq3A_384 : i32 to vector<512x1xi32>
    %eq3A_386 = arith.cmpi eq, %slice3A_354, %eq3A_385 : vector<512x1xi32>
    %slice3A_387 = vector.extract_strided_slice %squeeze3A_353 {offsets = [0, 96], sizes = [512, 32], strides = [1, 1]} : vector<512x128xf32> to vector<512x32xf32>
    %jit3A_388 = arith.constant 0.000000e+00 : f32
    %broadcast_in_dim3A_389 = vector.shape_cast %eq3A_386 : vector<512x1xi1> to vector<512x1xi1>
    %broadcast_in_dim3A_390 = vector.broadcast %broadcast_in_dim3A_389 : vector<512x1xi1> to vector<512x32xi1>
    %broadcast_in_dim3A_391 = vector.broadcast %jit3A_388 : f32 to vector<512x32xf32>
    %select_n3A_392 = arith.select %broadcast_in_dim3A_390, %slice3A_387, %broadcast_in_dim3A_391 : vector<512x32xi1>, vector<512x32xf32>
    %add3A_393 = arith.addf %add3A_383, %select_n3A_392 : vector<512x32xf32>
    %mul3A_394 = vector.broadcast %sub3A_351 : vector<512x1xf32> to vector<512x32xf32>
    %mul3A_395 = arith.mulf %mul3A_394, %add3A_393 : vector<512x32xf32>
    %add3A_396 = arith.addf %add3A_343, %mul3A_395 : vector<512x32xf32>
    %slice3A_397 = vector.extract_strided_slice %get3A_295 {offsets = [0, 0], sizes = [512, 1], strides = [1, 1]} : vector<512x5xi32> to vector<512x1xi32>
    %slice3A_398 = vector.extract_strided_slice %get3A_295 {offsets = [0, 2], sizes = [512, 1], strides = [1, 1]} : vector<512x5xi32> to vector<512x1xi32>
    %eq3A_399 = arith.cmpi eq, %slice3A_397, %slice3A_398 : vector<512x1xi32>
    %convert_element_type3A_400 = arith.extui %eq3A_399 : vector<512x1xi1> to vector<512x1xi32>
    %convert_element_type3A_401 = arith.sitofp %convert_element_type3A_400 : vector<512x1xi32> to vector<512x1xf32>
    %slice3A_402 = vector.extract_strided_slice %get3A_295 {offsets = [0, 1], sizes = [512, 1], strides = [1, 1]} : vector<512x5xi32> to vector<512x1xi32>
    %slice3A_403 = vector.extract_strided_slice %get3A_295 {offsets = [0, 2], sizes = [512, 1], strides = [1, 1]} : vector<512x5xi32> to vector<512x1xi32>
    %eq3A_404 = arith.cmpi eq, %slice3A_402, %slice3A_403 : vector<512x1xi32>
    %convert_element_type3A_405 = arith.extui %eq3A_404 : vector<512x1xi1> to vector<512x1xi32>
    %convert_element_type3A_406 = arith.sitofp %convert_element_type3A_405 : vector<512x1xi32> to vector<512x1xf32>
    %max3A_407 = arith.maximumf %convert_element_type3A_401, %convert_element_type3A_406 : vector<512x1xf32>
    %sub3A_408 = arith.constant 1.000000e+00 : f32
    %sub3A_409 = vector.broadcast %sub3A_408 : f32 to vector<512x1xf32>
    %sub3A_410 = arith.subf %sub3A_409, %max3A_407 : vector<512x1xf32>
    %slice3A_411 = vector.extract_strided_slice %get3A_2 {offsets = [7, 0, 0], sizes = [1, 512, 128], strides = [1, 1, 1]} : vector<10x512x128xf32> to vector<1x512x128xf32>
    %squeeze3A_412 = vector.shape_cast %slice3A_411 : vector<1x512x128xf32> to vector<512x128xf32>
    %slice3A_413 = vector.extract_strided_slice %and3A_301 {offsets = [0, 2], sizes = [512, 1], strides = [1, 1]} : vector<512x5xi32> to vector<512x1xi32>
    %eq3A_414 = arith.constant 0 : i32
    %eq3A_415 = vector.broadcast %eq3A_414 : i32 to vector<512x1xi32>
    %eq3A_416 = arith.cmpi eq, %slice3A_413, %eq3A_415 : vector<512x1xi32>
    %slice3A_417 = vector.extract_strided_slice %squeeze3A_412 {offsets = [0, 0], sizes = [512, 32], strides = [1, 1]} : vector<512x128xf32> to vector<512x32xf32>
    %jit3A_418 = arith.constant 0.000000e+00 : f32
    %broadcast_in_dim3A_419 = vector.shape_cast %eq3A_416 : vector<512x1xi1> to vector<512x1xi1>
    %broadcast_in_dim3A_420 = vector.broadcast %broadcast_in_dim3A_419 : vector<512x1xi1> to vector<512x32xi1>
    %broadcast_in_dim3A_421 = vector.broadcast %jit3A_418 : f32 to vector<512x32xf32>
    %select_n3A_422 = arith.select %broadcast_in_dim3A_420, %slice3A_417, %broadcast_in_dim3A_421 : vector<512x32xi1>, vector<512x32xf32>
    %eq3A_423 = arith.constant 1 : i32
    %eq3A_424 = vector.broadcast %eq3A_423 : i32 to vector<512x1xi32>
    %eq3A_425 = arith.cmpi eq, %slice3A_413, %eq3A_424 : vector<512x1xi32>
    %slice3A_426 = vector.extract_strided_slice %squeeze3A_412 {offsets = [0, 32], sizes = [512, 32], strides = [1, 1]} : vector<512x128xf32> to vector<512x32xf32>
    %jit3A_427 = arith.constant 0.000000e+00 : f32
    %broadcast_in_dim3A_428 = vector.shape_cast %eq3A_425 : vector<512x1xi1> to vector<512x1xi1>
    %broadcast_in_dim3A_429 = vector.broadcast %broadcast_in_dim3A_428 : vector<512x1xi1> to vector<512x32xi1>
    %broadcast_in_dim3A_430 = vector.broadcast %jit3A_427 : f32 to vector<512x32xf32>
    %select_n3A_431 = arith.select %broadcast_in_dim3A_429, %slice3A_426, %broadcast_in_dim3A_430 : vector<512x32xi1>, vector<512x32xf32>
    %add3A_432 = arith.addf %select_n3A_422, %select_n3A_431 : vector<512x32xf32>
    %eq3A_433 = arith.constant 2 : i32
    %eq3A_434 = vector.broadcast %eq3A_433 : i32 to vector<512x1xi32>
    %eq3A_435 = arith.cmpi eq, %slice3A_413, %eq3A_434 : vector<512x1xi32>
    %slice3A_436 = vector.extract_strided_slice %squeeze3A_412 {offsets = [0, 64], sizes = [512, 32], strides = [1, 1]} : vector<512x128xf32> to vector<512x32xf32>
    %jit3A_437 = arith.constant 0.000000e+00 : f32
    %broadcast_in_dim3A_438 = vector.shape_cast %eq3A_435 : vector<512x1xi1> to vector<512x1xi1>
    %broadcast_in_dim3A_439 = vector.broadcast %broadcast_in_dim3A_438 : vector<512x1xi1> to vector<512x32xi1>
    %broadcast_in_dim3A_440 = vector.broadcast %jit3A_437 : f32 to vector<512x32xf32>
    %select_n3A_441 = arith.select %broadcast_in_dim3A_439, %slice3A_436, %broadcast_in_dim3A_440 : vector<512x32xi1>, vector<512x32xf32>
    %add3A_442 = arith.addf %add3A_432, %select_n3A_441 : vector<512x32xf32>
    %eq3A_443 = arith.constant 3 : i32
    %eq3A_444 = vector.broadcast %eq3A_443 : i32 to vector<512x1xi32>
    %eq3A_445 = arith.cmpi eq, %slice3A_413, %eq3A_444 : vector<512x1xi32>
    %slice3A_446 = vector.extract_strided_slice %squeeze3A_412 {offsets = [0, 96], sizes = [512, 32], strides = [1, 1]} : vector<512x128xf32> to vector<512x32xf32>
    %jit3A_447 = arith.constant 0.000000e+00 : f32
    %broadcast_in_dim3A_448 = vector.shape_cast %eq3A_445 : vector<512x1xi1> to vector<512x1xi1>
    %broadcast_in_dim3A_449 = vector.broadcast %broadcast_in_dim3A_448 : vector<512x1xi1> to vector<512x32xi1>
    %broadcast_in_dim3A_450 = vector.broadcast %jit3A_447 : f32 to vector<512x32xf32>
    %select_n3A_451 = arith.select %broadcast_in_dim3A_449, %slice3A_446, %broadcast_in_dim3A_450 : vector<512x32xi1>, vector<512x32xf32>
    %add3A_452 = arith.addf %add3A_442, %select_n3A_451 : vector<512x32xf32>
    %mul3A_453 = vector.broadcast %sub3A_410 : vector<512x1xf32> to vector<512x32xf32>
    %mul3A_454 = arith.mulf %mul3A_453, %add3A_452 : vector<512x32xf32>
    %add3A_455 = arith.addf %add3A_396, %mul3A_454 : vector<512x32xf32>
    %slice3A_456 = vector.extract_strided_slice %get3A_295 {offsets = [0, 0], sizes = [512, 1], strides = [1, 1]} : vector<512x5xi32> to vector<512x1xi32>
    %slice3A_457 = vector.extract_strided_slice %get3A_295 {offsets = [0, 3], sizes = [512, 1], strides = [1, 1]} : vector<512x5xi32> to vector<512x1xi32>
    %eq3A_458 = arith.cmpi eq, %slice3A_456, %slice3A_457 : vector<512x1xi32>
    %convert_element_type3A_459 = arith.extui %eq3A_458 : vector<512x1xi1> to vector<512x1xi32>
    %convert_element_type3A_460 = arith.sitofp %convert_element_type3A_459 : vector<512x1xi32> to vector<512x1xf32>
    %slice3A_461 = vector.extract_strided_slice %get3A_295 {offsets = [0, 1], sizes = [512, 1], strides = [1, 1]} : vector<512x5xi32> to vector<512x1xi32>
    %slice3A_462 = vector.extract_strided_slice %get3A_295 {offsets = [0, 3], sizes = [512, 1], strides = [1, 1]} : vector<512x5xi32> to vector<512x1xi32>
    %eq3A_463 = arith.cmpi eq, %slice3A_461, %slice3A_462 : vector<512x1xi32>
    %convert_element_type3A_464 = arith.extui %eq3A_463 : vector<512x1xi1> to vector<512x1xi32>
    %convert_element_type3A_465 = arith.sitofp %convert_element_type3A_464 : vector<512x1xi32> to vector<512x1xf32>
    %max3A_466 = arith.maximumf %convert_element_type3A_460, %convert_element_type3A_465 : vector<512x1xf32>
    %slice3A_467 = vector.extract_strided_slice %get3A_295 {offsets = [0, 2], sizes = [512, 1], strides = [1, 1]} : vector<512x5xi32> to vector<512x1xi32>
    %slice3A_468 = vector.extract_strided_slice %get3A_295 {offsets = [0, 3], sizes = [512, 1], strides = [1, 1]} : vector<512x5xi32> to vector<512x1xi32>
    %eq3A_469 = arith.cmpi eq, %slice3A_467, %slice3A_468 : vector<512x1xi32>
    %convert_element_type3A_470 = arith.extui %eq3A_469 : vector<512x1xi1> to vector<512x1xi32>
    %convert_element_type3A_471 = arith.sitofp %convert_element_type3A_470 : vector<512x1xi32> to vector<512x1xf32>
    %max3A_472 = arith.maximumf %max3A_466, %convert_element_type3A_471 : vector<512x1xf32>
    %sub3A_473 = arith.constant 1.000000e+00 : f32
    %sub3A_474 = vector.broadcast %sub3A_473 : f32 to vector<512x1xf32>
    %sub3A_475 = arith.subf %sub3A_474, %max3A_472 : vector<512x1xf32>
    %slice3A_476 = vector.extract_strided_slice %get3A_2 {offsets = [8, 0, 0], sizes = [1, 512, 128], strides = [1, 1, 1]} : vector<10x512x128xf32> to vector<1x512x128xf32>
    %squeeze3A_477 = vector.shape_cast %slice3A_476 : vector<1x512x128xf32> to vector<512x128xf32>
    %slice3A_478 = vector.extract_strided_slice %and3A_301 {offsets = [0, 3], sizes = [512, 1], strides = [1, 1]} : vector<512x5xi32> to vector<512x1xi32>
    %eq3A_479 = arith.constant 0 : i32
    %eq3A_480 = vector.broadcast %eq3A_479 : i32 to vector<512x1xi32>
    %eq3A_481 = arith.cmpi eq, %slice3A_478, %eq3A_480 : vector<512x1xi32>
    %slice3A_482 = vector.extract_strided_slice %squeeze3A_477 {offsets = [0, 0], sizes = [512, 32], strides = [1, 1]} : vector<512x128xf32> to vector<512x32xf32>
    %jit3A_483 = arith.constant 0.000000e+00 : f32
    %broadcast_in_dim3A_484 = vector.shape_cast %eq3A_481 : vector<512x1xi1> to vector<512x1xi1>
    %broadcast_in_dim3A_485 = vector.broadcast %broadcast_in_dim3A_484 : vector<512x1xi1> to vector<512x32xi1>
    %broadcast_in_dim3A_486 = vector.broadcast %jit3A_483 : f32 to vector<512x32xf32>
    %select_n3A_487 = arith.select %broadcast_in_dim3A_485, %slice3A_482, %broadcast_in_dim3A_486 : vector<512x32xi1>, vector<512x32xf32>
    %eq3A_488 = arith.constant 1 : i32
    %eq3A_489 = vector.broadcast %eq3A_488 : i32 to vector<512x1xi32>
    %eq3A_490 = arith.cmpi eq, %slice3A_478, %eq3A_489 : vector<512x1xi32>
    %slice3A_491 = vector.extract_strided_slice %squeeze3A_477 {offsets = [0, 32], sizes = [512, 32], strides = [1, 1]} : vector<512x128xf32> to vector<512x32xf32>
    %jit3A_492 = arith.constant 0.000000e+00 : f32
    %broadcast_in_dim3A_493 = vector.shape_cast %eq3A_490 : vector<512x1xi1> to vector<512x1xi1>
    %broadcast_in_dim3A_494 = vector.broadcast %broadcast_in_dim3A_493 : vector<512x1xi1> to vector<512x32xi1>
    %broadcast_in_dim3A_495 = vector.broadcast %jit3A_492 : f32 to vector<512x32xf32>
    %select_n3A_496 = arith.select %broadcast_in_dim3A_494, %slice3A_491, %broadcast_in_dim3A_495 : vector<512x32xi1>, vector<512x32xf32>
    %add3A_497 = arith.addf %select_n3A_487, %select_n3A_496 : vector<512x32xf32>
    %eq3A_498 = arith.constant 2 : i32
    %eq3A_499 = vector.broadcast %eq3A_498 : i32 to vector<512x1xi32>
    %eq3A_500 = arith.cmpi eq, %slice3A_478, %eq3A_499 : vector<512x1xi32>
    %slice3A_501 = vector.extract_strided_slice %squeeze3A_477 {offsets = [0, 64], sizes = [512, 32], strides = [1, 1]} : vector<512x128xf32> to vector<512x32xf32>
    %jit3A_502 = arith.constant 0.000000e+00 : f32
    %broadcast_in_dim3A_503 = vector.shape_cast %eq3A_500 : vector<512x1xi1> to vector<512x1xi1>
    %broadcast_in_dim3A_504 = vector.broadcast %broadcast_in_dim3A_503 : vector<512x1xi1> to vector<512x32xi1>
    %broadcast_in_dim3A_505 = vector.broadcast %jit3A_502 : f32 to vector<512x32xf32>
    %select_n3A_506 = arith.select %broadcast_in_dim3A_504, %slice3A_501, %broadcast_in_dim3A_505 : vector<512x32xi1>, vector<512x32xf32>
    %add3A_507 = arith.addf %add3A_497, %select_n3A_506 : vector<512x32xf32>
    %eq3A_508 = arith.constant 3 : i32
    %eq3A_509 = vector.broadcast %eq3A_508 : i32 to vector<512x1xi32>
    %eq3A_510 = arith.cmpi eq, %slice3A_478, %eq3A_509 : vector<512x1xi32>
    %slice3A_511 = vector.extract_strided_slice %squeeze3A_477 {offsets = [0, 96], sizes = [512, 32], strides = [1, 1]} : vector<512x128xf32> to vector<512x32xf32>
    %jit3A_512 = arith.constant 0.000000e+00 : f32
    %broadcast_in_dim3A_513 = vector.shape_cast %eq3A_510 : vector<512x1xi1> to vector<512x1xi1>
    %broadcast_in_dim3A_514 = vector.broadcast %broadcast_in_dim3A_513 : vector<512x1xi1> to vector<512x32xi1>
    %broadcast_in_dim3A_515 = vector.broadcast %jit3A_512 : f32 to vector<512x32xf32>
    %select_n3A_516 = arith.select %broadcast_in_dim3A_514, %slice3A_511, %broadcast_in_dim3A_515 : vector<512x32xi1>, vector<512x32xf32>
    %add3A_517 = arith.addf %add3A_507, %select_n3A_516 : vector<512x32xf32>
    %mul3A_518 = vector.broadcast %sub3A_475 : vector<512x1xf32> to vector<512x32xf32>
    %mul3A_519 = arith.mulf %mul3A_518, %add3A_517 : vector<512x32xf32>
    %add3A_520 = arith.addf %add3A_455, %mul3A_519 : vector<512x32xf32>
    %slice3A_521 = vector.extract_strided_slice %get3A_295 {offsets = [0, 0], sizes = [512, 1], strides = [1, 1]} : vector<512x5xi32> to vector<512x1xi32>
    %slice3A_522 = vector.extract_strided_slice %get3A_295 {offsets = [0, 4], sizes = [512, 1], strides = [1, 1]} : vector<512x5xi32> to vector<512x1xi32>
    %eq3A_523 = arith.cmpi eq, %slice3A_521, %slice3A_522 : vector<512x1xi32>
    %convert_element_type3A_524 = arith.extui %eq3A_523 : vector<512x1xi1> to vector<512x1xi32>
    %convert_element_type3A_525 = arith.sitofp %convert_element_type3A_524 : vector<512x1xi32> to vector<512x1xf32>
    %slice3A_526 = vector.extract_strided_slice %get3A_295 {offsets = [0, 1], sizes = [512, 1], strides = [1, 1]} : vector<512x5xi32> to vector<512x1xi32>
    %slice3A_527 = vector.extract_strided_slice %get3A_295 {offsets = [0, 4], sizes = [512, 1], strides = [1, 1]} : vector<512x5xi32> to vector<512x1xi32>
    %eq3A_528 = arith.cmpi eq, %slice3A_526, %slice3A_527 : vector<512x1xi32>
    %convert_element_type3A_529 = arith.extui %eq3A_528 : vector<512x1xi1> to vector<512x1xi32>
    %convert_element_type3A_530 = arith.sitofp %convert_element_type3A_529 : vector<512x1xi32> to vector<512x1xf32>
    %max3A_531 = arith.maximumf %convert_element_type3A_525, %convert_element_type3A_530 : vector<512x1xf32>
    %slice3A_532 = vector.extract_strided_slice %get3A_295 {offsets = [0, 2], sizes = [512, 1], strides = [1, 1]} : vector<512x5xi32> to vector<512x1xi32>
    %slice3A_533 = vector.extract_strided_slice %get3A_295 {offsets = [0, 4], sizes = [512, 1], strides = [1, 1]} : vector<512x5xi32> to vector<512x1xi32>
    %eq3A_534 = arith.cmpi eq, %slice3A_532, %slice3A_533 : vector<512x1xi32>
    %convert_element_type3A_535 = arith.extui %eq3A_534 : vector<512x1xi1> to vector<512x1xi32>
    %convert_element_type3A_536 = arith.sitofp %convert_element_type3A_535 : vector<512x1xi32> to vector<512x1xf32>
    %max3A_537 = arith.maximumf %max3A_531, %convert_element_type3A_536 : vector<512x1xf32>
    %slice3A_538 = vector.extract_strided_slice %get3A_295 {offsets = [0, 3], sizes = [512, 1], strides = [1, 1]} : vector<512x5xi32> to vector<512x1xi32>
    %slice3A_539 = vector.extract_strided_slice %get3A_295 {offsets = [0, 4], sizes = [512, 1], strides = [1, 1]} : vector<512x5xi32> to vector<512x1xi32>
    %eq3A_540 = arith.cmpi eq, %slice3A_538, %slice3A_539 : vector<512x1xi32>
    %convert_element_type3A_541 = arith.extui %eq3A_540 : vector<512x1xi1> to vector<512x1xi32>
    %convert_element_type3A_542 = arith.sitofp %convert_element_type3A_541 : vector<512x1xi32> to vector<512x1xf32>
    %max3A_543 = arith.maximumf %max3A_537, %convert_element_type3A_542 : vector<512x1xf32>
    %sub3A_544 = arith.constant 1.000000e+00 : f32
    %sub3A_545 = vector.broadcast %sub3A_544 : f32 to vector<512x1xf32>
    %sub3A_546 = arith.subf %sub3A_545, %max3A_543 : vector<512x1xf32>
    %slice3A_547 = vector.extract_strided_slice %get3A_2 {offsets = [9, 0, 0], sizes = [1, 512, 128], strides = [1, 1, 1]} : vector<10x512x128xf32> to vector<1x512x128xf32>
    %squeeze3A_548 = vector.shape_cast %slice3A_547 : vector<1x512x128xf32> to vector<512x128xf32>
    %slice3A_549 = vector.extract_strided_slice %and3A_301 {offsets = [0, 4], sizes = [512, 1], strides = [1, 1]} : vector<512x5xi32> to vector<512x1xi32>
    %eq3A_550 = arith.constant 0 : i32
    %eq3A_551 = vector.broadcast %eq3A_550 : i32 to vector<512x1xi32>
    %eq3A_552 = arith.cmpi eq, %slice3A_549, %eq3A_551 : vector<512x1xi32>
    %slice3A_553 = vector.extract_strided_slice %squeeze3A_548 {offsets = [0, 0], sizes = [512, 32], strides = [1, 1]} : vector<512x128xf32> to vector<512x32xf32>
    %jit3A_554 = arith.constant 0.000000e+00 : f32
    %broadcast_in_dim3A_555 = vector.shape_cast %eq3A_552 : vector<512x1xi1> to vector<512x1xi1>
    %broadcast_in_dim3A_556 = vector.broadcast %broadcast_in_dim3A_555 : vector<512x1xi1> to vector<512x32xi1>
    %broadcast_in_dim3A_557 = vector.broadcast %jit3A_554 : f32 to vector<512x32xf32>
    %select_n3A_558 = arith.select %broadcast_in_dim3A_556, %slice3A_553, %broadcast_in_dim3A_557 : vector<512x32xi1>, vector<512x32xf32>
    %eq3A_559 = arith.constant 1 : i32
    %eq3A_560 = vector.broadcast %eq3A_559 : i32 to vector<512x1xi32>
    %eq3A_561 = arith.cmpi eq, %slice3A_549, %eq3A_560 : vector<512x1xi32>
    %slice3A_562 = vector.extract_strided_slice %squeeze3A_548 {offsets = [0, 32], sizes = [512, 32], strides = [1, 1]} : vector<512x128xf32> to vector<512x32xf32>
    %jit3A_563 = arith.constant 0.000000e+00 : f32
    %broadcast_in_dim3A_564 = vector.shape_cast %eq3A_561 : vector<512x1xi1> to vector<512x1xi1>
    %broadcast_in_dim3A_565 = vector.broadcast %broadcast_in_dim3A_564 : vector<512x1xi1> to vector<512x32xi1>
    %broadcast_in_dim3A_566 = vector.broadcast %jit3A_563 : f32 to vector<512x32xf32>
    %select_n3A_567 = arith.select %broadcast_in_dim3A_565, %slice3A_562, %broadcast_in_dim3A_566 : vector<512x32xi1>, vector<512x32xf32>
    %add3A_568 = arith.addf %select_n3A_558, %select_n3A_567 : vector<512x32xf32>
    %eq3A_569 = arith.constant 2 : i32
    %eq3A_570 = vector.broadcast %eq3A_569 : i32 to vector<512x1xi32>
    %eq3A_571 = arith.cmpi eq, %slice3A_549, %eq3A_570 : vector<512x1xi32>
    %slice3A_572 = vector.extract_strided_slice %squeeze3A_548 {offsets = [0, 64], sizes = [512, 32], strides = [1, 1]} : vector<512x128xf32> to vector<512x32xf32>
    %jit3A_573 = arith.constant 0.000000e+00 : f32
    %broadcast_in_dim3A_574 = vector.shape_cast %eq3A_571 : vector<512x1xi1> to vector<512x1xi1>
    %broadcast_in_dim3A_575 = vector.broadcast %broadcast_in_dim3A_574 : vector<512x1xi1> to vector<512x32xi1>
    %broadcast_in_dim3A_576 = vector.broadcast %jit3A_573 : f32 to vector<512x32xf32>
    %select_n3A_577 = arith.select %broadcast_in_dim3A_575, %slice3A_572, %broadcast_in_dim3A_576 : vector<512x32xi1>, vector<512x32xf32>
    %add3A_578 = arith.addf %add3A_568, %select_n3A_577 : vector<512x32xf32>
    %eq3A_579 = arith.constant 3 : i32
    %eq3A_580 = vector.broadcast %eq3A_579 : i32 to vector<512x1xi32>
    %eq3A_581 = arith.cmpi eq, %slice3A_549, %eq3A_580 : vector<512x1xi32>
    %slice3A_582 = vector.extract_strided_slice %squeeze3A_548 {offsets = [0, 96], sizes = [512, 32], strides = [1, 1]} : vector<512x128xf32> to vector<512x32xf32>
    %jit3A_583 = arith.constant 0.000000e+00 : f32
    %broadcast_in_dim3A_584 = vector.shape_cast %eq3A_581 : vector<512x1xi1> to vector<512x1xi1>
    %broadcast_in_dim3A_585 = vector.broadcast %broadcast_in_dim3A_584 : vector<512x1xi1> to vector<512x32xi1>
    %broadcast_in_dim3A_586 = vector.broadcast %jit3A_583 : f32 to vector<512x32xf32>
    %select_n3A_587 = arith.select %broadcast_in_dim3A_585, %slice3A_582, %broadcast_in_dim3A_586 : vector<512x32xi1>, vector<512x32xf32>
    %add3A_588 = arith.addf %add3A_578, %select_n3A_587 : vector<512x32xf32>
    %mul3A_589 = vector.broadcast %sub3A_546 : vector<512x1xf32> to vector<512x32xf32>
    %mul3A_590 = arith.mulf %mul3A_589, %add3A_588 : vector<512x32xf32>
    %add3A_591 = arith.addf %add3A_520, %mul3A_590 : vector<512x32xf32>
    %get3A_592 = arith.constant 0 : index
    %get3A_593 = arith.constant 0 : index
    %get3A_594 = vector.load %arg7[%get3A_592, %get3A_593] : memref<512x32xf32, #tpu.memory_space<vmem>>, vector<512x32xf32>
    %add3A_595 = arith.addf %add3A_591, %get3A_594 : vector<512x32xf32>
    %get3A_596 = arith.constant 0 : index
    %get3A_597 = arith.constant 0 : index
    %get3A_598 = vector.load %arg3[%get3A_596, %get3A_597] : memref<512x1xi32, #tpu.memory_space<vmem>>, vector<512x1xi32>
    %shift_right_arithmetic3A_599 = arith.constant 7 : i32
    %shift_right_arithmetic3A_600 = vector.broadcast %shift_right_arithmetic3A_599 : i32 to vector<512x1xi32>
    %shift_right_arithmetic3A_601 = arith.shrsi %get3A_598, %shift_right_arithmetic3A_600 : vector<512x1xi32>
    %and3A_602 = arith.constant 1 : i32
    %and3A_603 = vector.broadcast %and3A_602 : i32 to vector<512x1xi32>
    %and3A_604 = arith.andi %shift_right_arithmetic3A_601, %and3A_603 : vector<512x1xi32>
    %get3A_605 = arith.constant 0 : index
    %get3A_606 = arith.constant 0 : index
    %get3A_607 = vector.load %arg1[%get3A_605, %get3A_606] : memref<512x128xf32, #tpu.memory_space<vmem>>, vector<512x128xf32>
    %eq3A_608 = arith.constant 0 : i32
    %eq3A_609 = vector.broadcast %eq3A_608 : i32 to vector<512x1xi32>
    %eq3A_610 = arith.cmpi eq, %and3A_604, %eq3A_609 : vector<512x1xi32>
    %slice3A_611 = vector.extract_strided_slice %get3A_607 {offsets = [0, 0], sizes = [512, 64], strides = [1, 1]} : vector<512x128xf32> to vector<512x64xf32>
    %jit3A_612 = arith.constant 0.000000e+00 : f32
    %broadcast_in_dim3A_613 = vector.shape_cast %eq3A_610 : vector<512x1xi1> to vector<512x1xi1>
    %broadcast_in_dim3A_614 = vector.broadcast %broadcast_in_dim3A_613 : vector<512x1xi1> to vector<512x64xi1>
    %broadcast_in_dim3A_615 = vector.broadcast %jit3A_612 : f32 to vector<512x64xf32>
    %select_n3A_616 = arith.select %broadcast_in_dim3A_614, %slice3A_611, %broadcast_in_dim3A_615 : vector<512x64xi1>, vector<512x64xf32>
    %eq3A_617 = arith.constant 1 : i32
    %eq3A_618 = vector.broadcast %eq3A_617 : i32 to vector<512x1xi32>
    %eq3A_619 = arith.cmpi eq, %and3A_604, %eq3A_618 : vector<512x1xi32>
    %slice3A_620 = vector.extract_strided_slice %get3A_607 {offsets = [0, 64], sizes = [512, 64], strides = [1, 1]} : vector<512x128xf32> to vector<512x64xf32>
    %jit3A_621 = arith.constant 0.000000e+00 : f32
    %broadcast_in_dim3A_622 = vector.shape_cast %eq3A_619 : vector<512x1xi1> to vector<512x1xi1>
    %broadcast_in_dim3A_623 = vector.broadcast %broadcast_in_dim3A_622 : vector<512x1xi1> to vector<512x64xi1>
    %broadcast_in_dim3A_624 = vector.broadcast %jit3A_621 : f32 to vector<512x64xf32>
    %select_n3A_625 = arith.select %broadcast_in_dim3A_623, %slice3A_620, %broadcast_in_dim3A_624 : vector<512x64xi1>, vector<512x64xf32>
    %add3A_626 = arith.addf %select_n3A_616, %select_n3A_625 : vector<512x64xf32>
    %get3A_627 = arith.constant 0 : index
    %get3A_628 = arith.constant 0 : index
    %get3A_629 = vector.load %arg8[%get3A_627, %get3A_628] : memref<512x7xf32, #tpu.memory_space<vmem>>, vector<512x7xf32>
    %concatenate3A = tpu.concatenate %add3A_626, %add3A_292, %add3A_595, %get3A_629 in 1 : vector<512x64xf32>, vector<512x32xf32>, vector<512x32xf32>, vector<512x7xf32> -> vector<512x135xf32>
    %get3A_630 = arith.constant 0 : index
    %get3A_631 = arith.constant 0 : index
    %get3A_632 = vector.load %arg9[%get3A_630, %get3A_631] : memref<135x512xf32, #tpu.memory_space<vmem>>, vector<135x512xf32>
    %dot_general3A = arith.constant dense<0.000000e+00> : vector<512x512xf32>
    %dot_general3A_633 = tpu.matmul %concatenate3A, %get3A_632, %dot_general3A {dimension_numbers = #tpu.dot_dimension_numbers<[1], [0], [0], [1], [0, 0, 1, 1], [], []>, transpose_lhs_hint = false} : vector<512x135xf32>, vector<135x512xf32>, vector<512x512xf32> -> vector<512x512xf32>
    %get3A_634 = arith.constant 0 : index
    %get3A_635 = arith.constant 0 : index
    %get3A_636 = vector.load %arg10[%get3A_634, %get3A_635] : memref<1x512xf32, #tpu.memory_space<vmem>>, vector<1x512xf32>
    %add3A_637 = vector.broadcast %get3A_636 : vector<1x512xf32> to vector<512x512xf32>
    %add3A_638 = arith.addf %dot_general3A_633, %add3A_637 : vector<512x512xf32>
    %max3A_639 = arith.constant 0.000000e+00 : f32
    %max3A_640 = vector.broadcast %max3A_639 : f32 to vector<512x512xf32>
    %max3A_641 = arith.maximumf %add3A_638, %max3A_640 : vector<512x512xf32>
    %get3A_642 = arith.constant 0 : index
    %get3A_643 = arith.constant 0 : index
    %get3A_644 = vector.load %arg11[%get3A_642, %get3A_643] : memref<512x1000xf32, #tpu.memory_space<vmem>>, vector<512x1000xf32>
    %dot_general3A_645 = arith.constant dense<0.000000e+00> : vector<512x1000xf32>
    %dot_general3A_646 = tpu.matmul %max3A_641, %get3A_644, %dot_general3A_645 {dimension_numbers = #tpu.dot_dimension_numbers<[1], [0], [0], [1], [0, 0, 1, 1], [], []>, transpose_lhs_hint = false} : vector<512x512xf32>, vector<512x1000xf32>, vector<512x1000xf32> -> vector<512x1000xf32>
    %get3A_647 = arith.constant 0 : index
    %get3A_648 = arith.constant 0 : index
    %get3A_649 = vector.load %arg12[%get3A_647, %get3A_648] : memref<1x1000xf32, #tpu.memory_space<vmem>>, vector<1x1000xf32>
    %add3A_650 = vector.broadcast %get3A_649 : vector<1x1000xf32> to vector<512x1000xf32>
    %add3A_651 = arith.addf %dot_general3A_646, %add3A_650 : vector<512x1000xf32>
    %reduce_max3A = arith.constant dense<0xFF800000> : vector<512xf32>
    %reduce_max3A_652 = vector.multi_reduction <maximumf>, %add3A_651, %reduce_max3A [1] : vector<512x1000xf32> to vector<512xf32>
    %broadcast_in_dim3A_653 = vector.shape_cast %reduce_max3A_652 : vector<512xf32> to vector<512x1xf32>
    %sub3A_654 = vector.broadcast %broadcast_in_dim3A_653 : vector<512x1xf32> to vector<512x1000xf32>
    %sub3A_655 = arith.subf %add3A_651, %sub3A_654 : vector<512x1000xf32>
    %exp3A = math.exp %sub3A_655 : vector<512x1000xf32>
    %reduce_sum3A = arith.constant dense<0.000000e+00> : vector<512xf32>
    %reduce_sum3A_656 = vector.multi_reduction <add>, %exp3A, %reduce_sum3A [1] : vector<512x1000xf32> to vector<512xf32>
    %broadcast_in_dim3A_657 = vector.shape_cast %reduce_sum3A_656 : vector<512xf32> to vector<512x1xf32>
    %log3A = math.log %broadcast_in_dim3A_657 : vector<512x1xf32>
    %sub3A_658 = vector.broadcast %log3A : vector<512x1xf32> to vector<512x1000xf32>
    %sub3A_659 = arith.subf %sub3A_655, %sub3A_658 : vector<512x1000xf32>
    %swap3A = arith.constant 0 : index
    %swap3A_660 = arith.constant 0 : index
    %swap3A_661 = vector.load %arg13[%swap3A, %swap3A_660] : memref<512x1000xf32, #tpu.memory_space<vmem>>, vector<512x1000xf32>
    tpu.vector_store %arg13[%swap3A, %swap3A_660], %sub3A_659 {strides = array<i32>} : memref<512x1000xf32, #tpu.memory_space<vmem>>, vector<512x1000xf32>,
    return
  }
  func.func @transform_0(%arg0: i32) -> (i32, i32) {
    %c0_i32 = arith.constant 0 : i32
    %c0_i32_0 = arith.constant 0 : i32
    return %arg0, %c0_i32 : i32, i32
  }
  func.func @transform_1(%arg0: i32) -> (i32, i32, i32) {
    %c0_i32 = arith.constant 0 : i32
    %c0_i32_0 = arith.constant 0 : i32
    %c0_i32_1 = arith.constant 0 : i32
    return %c0_i32, %arg0, %c0_i32_0 : i32, i32, i32
  }
  func.func @transform_2(%arg0: i32) -> (i32, i32) {
    %c0_i32 = arith.constant 0 : i32
    %c0_i32_0 = arith.constant 0 : i32
    return %arg0, %c0_i32 : i32, i32
  }
  func.func @transform_3(%arg0: i32) -> (i32, i32) {
    %c0_i32 = arith.constant 0 : i32
    %c0_i32_0 = arith.constant 0 : i32
    return %arg0, %c0_i32 : i32, i32
  }
  func.func @transform_4(%arg0: i32) -> (i32, i32) {
    %c0_i32 = arith.constant 0 : i32
    %c0_i32_0 = arith.constant 0 : i32
    return %arg0, %c0_i32 : i32, i32
  }
  func.func @transform_5(%arg0: i32) -> (i32, i32) {
    %c0_i32 = arith.constant 0 : i32
    %c0_i32_0 = arith.constant 0 : i32
    return %arg0, %c0_i32 : i32, i32
  }
  func.func @transform_6(%arg0: i32) -> (i32, i32) {
    %c0_i32 = arith.constant 0 : i32
    %c0_i32_0 = arith.constant 0 : i32
    return %arg0, %c0_i32 : i32, i32
  }
  func.func @transform_7(%arg0: i32) -> (i32, i32) {
    %c0_i32 = arith.constant 0 : i32
    %c0_i32_0 = arith.constant 0 : i32
    return %arg0, %c0_i32 : i32, i32
  }
  func.func @transform_8(%arg0: i32) -> (i32, i32) {
    %c0_i32 = arith.constant 0 : i32
    %c0_i32_0 = arith.constant 0 : i32
    %c0_i32_1 = arith.constant 0 : i32
    return %c0_i32, %c0_i32_0 : i32, i32
  }
  func.func @transform_9(%arg0: i32) -> (i32, i32) {
    %c0_i32 = arith.constant 0 : i32
    %c0_i32_0 = arith.constant 0 : i32
    %c0_i32_1 = arith.constant 0 : i32
    return %c0_i32, %c0_i32_0 : i32, i32
  }
  func.func @transform_10(%arg0: i32) -> (i32, i32) {
    %c0_i32 = arith.constant 0 : i32
    %c0_i32_0 = arith.constant 0 : i32
    %c0_i32_1 = arith.constant 0 : i32
    return %c0_i32, %c0_i32_0 : i32, i32
  }
  func.func @transform_11(%arg0: i32) -> (i32, i32) {
    %c0_i32 = arith.constant 0 : i32
    %c0_i32_0 = arith.constant 0 : i32
    %c0_i32_1 = arith.constant 0 : i32
    return %c0_i32, %c0_i32_0 : i32, i32
  }
  func.func @transform_12(%arg0: i32) -> (i32, i32) {
    %c0_i32 = arith.constant 0 : i32
    %c0_i32_0 = arith.constant 0 : i32
    return %arg0, %c0_i32 : i32, i32
  }
}

</mosaic_0001>

<sc_bundles>
// kernel: kernel.6.cloned.1.call-start
scs
__scs_entry_jumppad:
0x0: {  	(pc) =	sbr.rel $0x88, $3  }
0x1: {  	(tag) =	ssettag $0x0;
	lr =	simm.s32 $0x1  }
0x2: {  	[smem:$0x3F95] =	sst lr;
	_ =	strace $0xD0000000  }
0x3: {  	_ = 	snop  }
0x4: {  	_ = 	snop  }
0x5: {  	_ = 	snop  }
0x6: {  	_ = 	snop  }
0x7: {  	_ = 	snop  }
__scs_overlays_trampoline_lowered:
0x8: {  	[smem:$0x3FA4] =	sst s0  }
0x9: {  	[smem:$0x3FA5] =	sst s1  }
0xa: {  	[smem:$0x3FA6] =	sst s2  }
0xb: {  	[smem:$0x3FA7] =	sst s3  }
0xc: {  	[smem:$0x3FA8] =	sst s4  }
0xd: {  	[smem:$0x3FA9] =	sst s5  }
0xe: {  	[smem:$0x3FAA] =	sst s6  }
0xf: {  	[smem:$0x3FAB] =	sst s7  }
0x10: {  	[smem:$0x3FAC] =	sst s8  }
0x11: {  	[smem:$0x3FAD] =	sst s9;
	s0 =	simm.s32 @!p0 $0x0  }
0x12: {  	s1 =	sld [smem:$0x3F93];
	s0 =	simm.s32 @p0 $0x1  }
0x13: {  	[smem:$0x3FAE] =	sst s0;
	s0 =	simm.s32 @!p1 $0x0  }
0x14: {  	s2 =	sld [smem:$0x3F92];
	s0 =	simm.s32 @p1 $0x1  }
0x15: {  	[smem:$0x3FAF] =	sst s0;
	s0 =	simm.s32 @!p2 $0x0  }
0x16: {  	s3 =	sld [smem:$0x3FDB];
	s0 =	simm.s32 @p2 $0x1  }
0x17: {  	s4 =	simm.s32 $0x1BF5;
	[smem:$0x3FB1] =	sst s0  }
0x18: {  	s0 =	sld [smem:$0x3F94];
	_ =	swait.ge [sflag:s4], $0x0  }
0x19: {  	s7 =	sld [smem:$0x3F95]  }
0x1a: {  	s8 =	sadd.s32 $0xFFFFE003, lr  }
0x1b: {  	s9 =	sadd.s32 $0xFFFFFEF7, lr;
	s5 =	simm.s32 $0xFFFFFFFF;
	p2 =	slt.u32 s8, $0xFFFFF086  }
0x1c: {  	p1 =	slt.u32 s9, $0xF7A;
	s5 =	simm.s32 @!p2 $0x0  }
0x1d: {  	s5 =	simm.s32 @p1 $0x1;
	p0 =	seq.s32 s7, s2  }
0x1e: {  	s7 =	smul.u32 @!p0 $0xF7A, s2;
	p2 =	seq.s32 @!p0 s5, $0x0  }
0x1f: {  	s9 =	smul.u32 $0xF7A, s1;
	s8 =	simm.s32 @!p0 $0x1BF5;
	p2 =	por !p2, p0  }
0x20: {  	[sflag:s8] =	ssyncset.s32 @!p0 $0xFFFFF086;
	s6 =	sadd.s32 @!p0 s3, s7;
	s7 =	simm.s32 @!p0 $0x108  }
0x21: {  	s3 =	sadd.s32 s3, s9;
	s6 =	sadd.s32 @!p0 $0x88, s6;
	s7 =	simm.s32 @p2 $0x1082  }
0x22: {  	[simem:s7], [sflag:s8] =	dma.local @!p0 [hbm:s6], $0xF7A  }
0x23: {  	s9 =	sor.u32 $0xD0000000, s2;
	s6 =	simm.s32 $0x108;
	_ =	swait.ge @!p0 [sflag:s8], $0x0  }
0x24: {  	s3 =	sadd.s32 $0x88, s3;
	s6 =	simm.s32 @!p1 $0x1082;
	[sflag:s4] =	ssyncset.s32 $0xFFFFF086  }
0x25: {  	[simem:s6], [sflag:s4] =	dma.local [hbm:s3], $0xF7A  }
0x26: {  	[smem:$0x3F95] =	sst s1;
	(tag) =	ssettag s2;
	_ =	strace s9  }
0x27: {  	s1 =	sld [smem:$0x3FA5]  }
0x28: {  	s2 =	sld [smem:$0x3FA6]  }
0x29: {  	s4 =	sld [smem:$0x3FA8]  }
0x2a: {  	p0 =	seq.s32 s5, $0x0;
	s5 =	sld [smem:$0x3FA9]  }
0x2b: {  	s6 =	sld [smem:$0x3FAA]  }
0x2c: {  	s7 =	sld [smem:$0x3FAB]  }
0x2d: {  	s3 =	simm.s32 $0x108;
	s8 =	sld [smem:$0x3FAC]  }
0x2e: {  	s3 =	simm.s32 @!p0 $0x1082;
	s9 =	sld [smem:$0x3FAD]  }
0x2f: {  	lr =	sadd.s32 s0, s3;
	s0 =	sld [smem:$0x3FA4]  }
0x30: {  	s3 =	sld [smem:$0x3FA7]  }
0x31: {  	[smem:$0x3FB0] =	sst s10  }
0x32: {  	s10 =	sld [smem:$0x3FAE];
	_ =	sdelay $0x3  }
0x33: {  	p0 =	seq.s32 s10, $0x1;
	s10 =	sld [smem:$0x3FB0];
	_ =	sdelay $0x3  }
0x34: {  	[smem:$0x3FB0] =	sst s10  }
0x35: {  	s10 =	sld [smem:$0x3FAF];
	_ =	sdelay $0x3  }
0x36: {  	p1 =	seq.s32 s10, $0x1;
	s10 =	sld [smem:$0x3FB0];
	_ =	sdelay $0x3  }
0x37: {  	[smem:$0x3FB0] =	sst s10  }
0x38: {  	s10 =	sld [smem:$0x3FB1]  }
0x39: {  	_ = 	snop;
	(pc) =	sbr.ind lr, $3  }
0x3a: {  	_ = 	snop  }
0x3b: {  	_ = 	snop  }
0x3c: {  	p2 =	seq.s32 s10, $0x1;
	s10 =	sld [smem:$0x3FB0]  }
0x3d: {  	_ =	shalt  }
0x3e: {  	_ =	shalt  }
0x3f: {  	_ =	shalt  }
0x40: {  	_ =	shalt  }
0x41: {  	_ =	shalt  }
0x42: {  	_ =	shalt  }
0x43: {  	_ =	shalt  }
0x44: {  	_ =	shalt  }
0x45: {  	_ =	shalt  }
0x46: {  	_ =	shalt  }
0x47: {  	_ =	shalt  }
0x48: {  	_ =	shalt  }
0x49: {  	_ =	shalt  }
0x4a: {  	_ =	shalt  }
0x4b: {  	_ =	shalt  }
0x4c: {  	_ =	shalt  }
0x4d: {  	_ =	shalt  }
0x4e: {  	_ =	shalt  }
0x4f: {  	_ =	shalt  }
0x50: {  	_ =	shalt  }
0x51: {  	_ =	shalt  }
0x52: {  	_ =	shalt  }
0x53: {  	_ =	shalt  }
0x54: {  	_ =	shalt  }
0x55: {  	_ =	shalt  }
0x56: {  	_ =	shalt  }
0x57: {  	_ =	shalt  }
0x58: {  	_ =	shalt  }
0x59: {  	_ =	shalt  }
0x5a: {  	_ =	shalt  }
0x5b: {  	_ =	shalt  }
0x5c: {  	_ =	shalt  }
0x5d: {  	_ =	shalt  }
0x5e: {  	_ =	shalt  }
0x5f: {  	_ =	shalt  }
0x60: {  	_ =	shalt  }
0x61: {  	_ =	shalt  }
0x62: {  	_ =	shalt  }
0x63: {  	_ =	shalt  }
0x64: {  	_ =	shalt  }
0x65: {  	_ =	shalt  }
0x66: {  	_ =	shalt  }
0x67: {  	_ =	shalt  }
0x68: {  	_ =	shalt  }
0x69: {  	_ =	shalt  }
0x6a: {  	_ =	shalt  }
0x6b: {  	_ =	shalt  }
0x6c: {  	_ =	shalt  }
0x6d: {  	_ =	shalt  }
0x6e: {  	_ =	shalt  }
0x6f: {  	_ =	shalt  }
0x70: {  	_ =	shalt  }
0x71: {  	_ =	shalt  }
0x72: {  	_ =	shalt  }
0x73: {  	_ =	shalt  }
0x74: {  	_ =	shalt  }
0x75: {  	_ =	shalt  }
0x76: {  	_ =	shalt  }
0x77: {  	_ =	shalt  }
0x78: {  	_ =	shalt  }
0x79: {  	_ =	shalt  }
0x7a: {  	_ =	shalt  }
0x7b: {  	_ =	shalt  }
0x7c: {  	_ =	shalt  }
0x7d: {  	_ =	shalt  }
0x7e: {  	_ =	shalt  }
0x7f: {  	_ =	shalt  }
0x80: {  	_ =	shalt  }
0x81: {  	_ =	shalt  }
0x82: {  	_ =	shalt  }
0x83: {  	_ =	shalt  }
0x84: {  	_ =	shalt  }
0x85: {  	_ =	shalt  }
0x86: {  	_ =	shalt  }
0x87: {  	_ =	shalt  }
.Lfunc_end0:
.L_simem_size_0:
called_computation_lowered:
.L_overlay_start_0:
0x88: {  	s2 =	sld [smem:$0x3FD9]  }
0x89: {  	s3 =	sld [smem:$0x3FFE];
	_ =	sdelay $0x1  }
0x8a: {  	s1 =	srdreg.scid  }
0x8b: {  	s0 =	sand.u32 $0x1, s1  }
0x8c: {  	s17 =	sshll.u32 s0, $0xA;
	s2 =	sadd.s32 s3, s2  }
0x8d: {  	s2 =	sadd.s32 s2, s17  }
0x8e: {  	[smem:$0x3FBC] =	sst s2  }
0x8f: {  	_ = 	snop  }
0x90: {  	s2 =	sld [smem:$0x3FD0];
	(tm) =	ssettm $0x1  }
0x91: {  	s18 =	sld [smem:$0x3FFB];
	_ =	sdelay $0x3  }
0x92: {  	_ =	strace s18  }
0x93: {  	s3 =	sld [smem:$0x3FFC];
	_ =	sdelay $0x3  }
0x94: {  	_ =	strace s3  }
0x95: {  	s3 =	sld [smem:$0x3FFD];
	_ =	sdelay $0x3  }
0x96: {  	_ =	strace s3  }
0x97: {  	_ =	strace $0x8FFFFFFF  }
0x98: {  	s19 =	sld [smem:$0x3FDB];
	_ =	sdelay $0x1  }
0x99: {  	s4 =	simm.s32 $_scs_section_size  }
0x9a: {  	s5 =	simm.s32 $_size__tile_overlayer_lowered;
	s6 =	simm.s32 $_tile_overlayer_lowered  }
0x9b: {  	s22 =	simm.s32 $0x1BFF;
	s21 =	sshll.u32 s6, $0x1;
	s3 =	sadd.s32 s4, s19  }
0x9c: {  	s7 =	simm.s32 $0x0;
	s20 =	sshll.u32 s5, $0x1;
	s5 =	sadd.s32 s21, s3  }
0x9d: {  	[timem:s7], [sflag:s22] =	dma.local [hbm:s5], s20  }
0x9e: {  	_ =	swait.ge [sflag:s22], s20  }
0x9f: {  	s4 =	ssub.s32 $0x0, s20;
	[sflag:s22] =	ssyncset.done $0x0  }
0xa0: {  	[sflag:s22] =	ssyncadd.s32 s4;
	_ =	sdelay $0x1  }
0xa1: {  	s23 =	simm.s32 $0x1B8B  }
0xa2: {  	_ =	swait.ge [sflag:s23], $0x1  }
0xa3: {  	[sflag:s23] =	ssyncset.done $0x0  }
0xa4: {  	s25 =	simm.s32 $0x1B8E;
	s24 =	sld [smem:$0x3FFE];
	[sflag:s23] =	ssyncadd.s32 $0xFFFFFFFF  }
0xa5: {  	s26 =	simm.s32 $execute0_lowered;
	[smem:$0x3FD2] =	sst s25  }
0xa6: {  	s5 =	sshll.u32 s26, $0x1;
	_ =	strace $0x80000046;
	[dreg:$0x1] =	wrdreg $0xFFFFFFFF  }
0xa7: {  	s28 =	simm.s32 $_size_execute0_lowered;
	s3 =	sadd.s32 s3, s5;
	[dreg:$0x0] =	wrdreg $0x0  }
0xa8: {  	s5 =	sshll.u32 s28, $0x1;
	[dreg:$0x2] =	wrdreg s3  }
0xa9: {  	[dreg:$0x3] =	wrdreg s5  }
0xaa: {  	[dreg:$0x4] =	wrdreg $0xC0  }
0xab: {  	_ =	task [dreg:s7], $0x5FFFF  }
0xac: {  	[dreg:$0x1] =	wrdreg $0xFFFFFFFF  }
0xad: {  	[dreg:$0x0] =	wrdreg $0x60  }
0xae: {  	[dreg:$0x2] =	wrdreg s24  }
0xaf: {  	[dreg:$0x3] =	wrdreg s2  }
0xb0: {  	[dreg:$0x4] =	wrdreg $0x9  }
0xb1: {  	_ =	task.clear_ibuf [dreg:s7], $0x5FFFF;
	_ =	strace $0x90000046  }
0xb2: {  	s29 =	simm.s32 $0x9;
	_ =	strace $0x80000048  }
0xb3: {  	_ =	swait.ge [sflag:s29], $0x1  }
0xb4: {  	[sflag:s29] =	ssyncadd.s32 $0xFFFFFFFF  }
0xb5: {  	_ =	strace $0x90000048  }
0xb6: {  	_ =	sfence  }
0xb7: {  	s30 =	sld [smem:$0x0];
	_ =	sdelay $0x2  }
0xb8: {  	s31 =	sshll.u32 s1, $0xD;
	s1 =	sshrl.u32 s1, $0x2  }
0xb9: {  	s3 =	sand.u32 $0x4000, s31;
	s1 =	sadd.s32 s1, s30  }
0xba: {  	s0 =	sor.u32 s3, s0;
	s1 =	sshll.u32 s1, $0x11  }
0xbb: {  	s0 =	sor.u32 s1, s0  }
0xbc: {  	s0 =	sadd.s32 $0x8F2B, s0  }
0xbd: {  	[sflag:s0] =	ssyncadd.remote.s32 $0x1  }
0xbe: {  	_ =	sfence.sel $0xFFFF  }
0xbf: {  	[dreg:$0x0] =	wrdreg $0xFFFFFFFF;
	(pc) =	sbr.abs _section_cstart, $3  }
0xc0: {  	[dreg:$0x1] =	wrdreg $0xFFFFFFFF  }
0xc1: {  	_ =	task.clear_ibuf [dreg:s7], $0x2FFFF;
	_ =	strace $0x9FFFFFFF  }
0xc2: {  	(tm) =	ssettm $0x7FFFFFFF  }
0xc3: {  	_ =	shalt  }
tec
execute0_lowered:
.L_overlay_start_1:
0x0: {  	(tag) =	ssettag $0x1  }
0x1: {  	s21 =	rddreg [dreg:$0x0]  }
0x2: {  	s2 =	rddreg [dreg:$0x1]  }
0x3: {  	s0 =	rddreg [dreg:$0x2]  }
0x4: {  	s4 =	srdreg.scid;
	s1 =	stileid.u32  }
0x5: {  	s3 =	simm.s32 $0x0;
	s20 =	sand.u32 $0x1, s4;
	s29 =	sshll.u32 s1, $0x1  }
0x6: {  	[smem:$0x7FF] =	sst s3;
	s22 =	sor.u32 s20, s29  }
0x7: {  	_ =	strace $0x80000047;
	s4 =	sshll.u32 s22, $0x2;
	s23 =	sshll.u32 s22, $0x9  }
0x8: {  	s6 =	sshll.u32 s20, $0x9;
	s4 =	sadd.s32 s4, s21;
	s5 =	sand.u32 $0x3C00, s23  }
0x9: {  	s6 =	sor.u32 s6, s5;
	s5 =	sadd.s32 $0x66E00, s4;
	s4 =	simm.s32 $0x2  }
0xa: {  	[tilespmem:s3], [sflag:$0x2] =	stream.linear.gather [hbm4b:s5+s3], $0x20, $0x38;
	[tilespmem:$0xB280] =	vst v63  }
0xb: {  	s6 =	sshrl.u32 s6, $0x3;
	_ =	swait.ge [sflag:s4], $0x20  }
0xc: {  	s6 =	sadd.s32 s6, s21;
	[sflag:s4] =	ssyncset.done $0x0  }
0xd: {  	s7 =	simm.s32 $0x80;
	s6 =	sadd.s32 $0x66600, s6;
	[sflag:s4] =	ssyncadd.s32 $0xFFFFFFE0  }
0xe: {  	[tilespmem:s7], [sflag:$0x2] =	stream.linear.gather [hbm4b:s6+s3], $0x200, $0x38;
	[tilespmem:$0xB280] =	vst v63  }
0xf: {  	_ =	swait.ge [sflag:s4], $0x200  }
0x10: {  	[sflag:s4] =	ssyncset.done $0x0  }
0x11: {  	s8 =	simm.s32 $0x20;
	s9 =	simm.s32 $0x280;
	[sflag:s4] =	ssyncadd.s32 $0xFFFFFE00  }
0x12: {  	[tilespmem:s9], [sflag:$0x1] =	stream.indirect.gather [hbm4b:s2+s8], $0x80, s3, s8, $0xb8;
	[tilespmem:$0xB280] =	vst v63  }
0x13: {  	s11 =	simm.s32 $0x50;
	s12 =	simm.s32 $0x1280;
	s10 =	sadd.s32 $0x2600, s21  }
0x14: {  	[tilespmem:s12], [sflag:$0x1] =	stream.indirect.gather [hbm4b:s10+s11], $0x80, s7, s11, $0xb8;
	[tilespmem:$0xB280] =	vst v63  }
0x15: {  	s13 =	simm.s32 $0x100;
	s14 =	simm.s32 $0x3A80  }
0x16: {  	[tilespmem:s14], [sflag:$0x1] =	stream.indirect.gather [hbm4b:s10+s11], $0x80, s13, s11, $0xb8;
	[tilespmem:$0xB280] =	vst v63  }
0x17: {  	s15 =	simm.s32 $0x180;
	s16 =	simm.s32 $0x6280  }
0x18: {  	[tilespmem:s16], [sflag:$0x1] =	stream.indirect.gather [hbm4b:s10+s11], $0x80, s15, s11, $0xb8;
	[tilespmem:$0xB280] =	vst v63  }
0x19: {  	s17 =	simm.s32 $0x200;
	s18 =	simm.s32 $0x8A80;
	s19 =	simm.s32 $0x1  }
0x1a: {  	[tilespmem:s18], [sflag:$0x1] =	stream.indirect.gather [hbm4b:s10+s11], $0x80, s17, s11, $0xb8;
	[tilespmem:$0xB280] =	vst v63  }
0x1b: {  	_ =	swait.ge [sflag:s19], $0x1000  }
0x1c: {  	[sflag:s19] =	ssyncset.done $0x0  }
0x1d: {  	[sflag:s19] =	ssyncadd.s32 $0xFFFFF000  }
0x1e: {  	_ =	swait.ge [sflag:s19], $0x2800  }
0x1f: {  	[sflag:s19] =	ssyncset.done $0x0  }
0x20: {  	[sflag:s19] =	ssyncadd.s32 $0xFFFFD800  }
0x21: {  	_ =	swait.ge [sflag:s19], $0x2800  }
0x22: {  	[sflag:s19] =	ssyncset.done $0x0  }
0x23: {  	[sflag:s19] =	ssyncadd.s32 $0xFFFFD800  }
0x24: {  	_ =	swait.ge [sflag:s19], $0x2800  }
0x25: {  	[sflag:s19] =	ssyncset.done $0x0  }
0x26: {  	s24 =	ssub.s32 $0x2, s20;
	s22 =	smul.u32 $0x1400, s22;
	[sflag:s19] =	ssyncadd.s32 $0xFFFFD800  }
0x27: {  	s30 =	sshrl.u32 s24, $0x1;
	s23 =	sadd.s32 s23, s21;
	_ =	swait.ge [sflag:s19], $0x2800  }
0x28: {  	s31 =	ssub.s32 s24, s30;
	s20 =	sadd.s32 $0x8F000, s23;
	[sflag:s19] =	ssyncset.done $0x0  }
0x29: {  	s21 =	sadd.s32 s22, s21;
	s22 =	smax.u32 s31, $0x1;
	[sflag:s19] =	ssyncadd.s32 $0xFFFFD800  }
0x2a: {  	[hbm4b:s20+s3] =	stream.linear.scatter [tilespmem:s9], [sflag:$0x2], $0x1000, $0x38;
	[tilespmem:$0xB280] =	vst v63  }
0x2b: {  	p0 =	sne.s32 s22, $0x1;
	_ =	swait.ge [sflag:s4], $0x1000  }
.Ltmp0:
0x2c: {  	[sflag:s4] =	ssyncset.done $0x0;
	(pc) =	sbr.rel @!p0 .LBB2_2-.Ltmp0, $4  }
0x2d: {  	s21 =	sadd.s32 $0x67000, s21;
	[sflag:s4] =	ssyncadd.s32 $0xFFFFF000  }
0x2e: {  	[hbm4b:s21+s3] =	stream.linear.scatter [tilespmem:s12], [sflag:$0x2], $0xA000, $0x38;
	[tilespmem:$0xB280] =	vst v63  }
0x2f: {  	_ =	swait.ge [sflag:s4], $0xA000  }
0x30: {  	s22 =	sadd.s32 $0xFFFFFFFF, s22;
	[sflag:s4] =	ssyncset.done $0x0  }
.LBB2_1:
0x31: {  	p0 =	sne.s32 s22, $0x1;
	s22 =	sadd.s32 $0xFFFFFFFF, s22;
	[sflag:s4] =	ssyncadd.s32 $0xFFFF6000  }
0x32: {  	[tilespmem:s3], [sflag:$0x2] =	stream.linear.gather [hbm4b:s5+s3], $0x20, $0x38;
	[tilespmem:$0xB280] =	vst v63  }
0x33: {  	_ =	swait.ge [sflag:s4], $0x20  }
0x34: {  	[sflag:s4] =	ssyncset.done $0x0  }
0x35: {  	[sflag:s4] =	ssyncadd.s32 $0xFFFFFFE0  }
0x36: {  	[tilespmem:s7], [sflag:$0x2] =	stream.linear.gather [hbm4b:s6+s3], $0x200, $0x38;
	[tilespmem:$0xB280] =	vst v63  }
0x37: {  	_ =	swait.ge [sflag:s4], $0x200  }
0x38: {  	[sflag:s4] =	ssyncset.done $0x0  }
0x39: {  	[sflag:s4] =	ssyncadd.s32 $0xFFFFFE00  }
0x3a: {  	[tilespmem:s9], [sflag:$0x1] =	stream.indirect.gather [hbm4b:s2+s8], $0x80, s3, s8, $0xb8;
	[tilespmem:$0xB280] =	vst v63  }
0x3b: {  	_ = 	snop  }
0x3c: {  	[tilespmem:s12], [sflag:$0x1] =	stream.indirect.gather [hbm4b:s10+s11], $0x80, s7, s11, $0xb8;
	[tilespmem:$0xB280] =	vst v63  }
0x3d: {  	_ = 	snop  }
0x3e: {  	[tilespmem:s14], [sflag:$0x1] =	stream.indirect.gather [hbm4b:s10+s11], $0x80, s13, s11, $0xb8;
	[tilespmem:$0xB280] =	vst v63  }
0x3f: {  	_ = 	snop  }
0x40: {  	[tilespmem:s16], [sflag:$0x1] =	stream.indirect.gather [hbm4b:s10+s11], $0x80, s15, s11, $0xb8;
	[tilespmem:$0xB280] =	vst v63  }
0x41: {  	_ = 	snop  }
0x42: {  	[tilespmem:s18], [sflag:$0x1] =	stream.indirect.gather [hbm4b:s10+s11], $0x80, s17, s11, $0xb8;
	[tilespmem:$0xB280] =	vst v63  }
0x43: {  	_ =	swait.ge [sflag:s19], $0x1000  }
0x44: {  	[sflag:s19] =	ssyncset.done $0x0  }
0x45: {  	[sflag:s19] =	ssyncadd.s32 $0xFFFFF000  }
0x46: {  	_ =	swait.ge [sflag:s19], $0x2800  }
0x47: {  	[sflag:s19] =	ssyncset.done $0x0  }
0x48: {  	[sflag:s19] =	ssyncadd.s32 $0xFFFFD800  }
0x49: {  	_ =	swait.ge [sflag:s19], $0x2800  }
0x4a: {  	[sflag:s19] =	ssyncset.done $0x0  }
0x4b: {  	[sflag:s19] =	ssyncadd.s32 $0xFFFFD800  }
0x4c: {  	_ =	swait.ge [sflag:s19], $0x2800  }
0x4d: {  	[sflag:s19] =	ssyncset.done $0x0  }
0x4e: {  	[sflag:s19] =	ssyncadd.s32 $0xFFFFD800  }
0x4f: {  	_ =	swait.ge [sflag:s19], $0x2800  }
0x50: {  	[sflag:s19] =	ssyncset.done $0x0  }
0x51: {  	[sflag:s19] =	ssyncadd.s32 $0xFFFFD800  }
0x52: {  	[hbm4b:s20+s3] =	stream.linear.scatter [tilespmem:s9], [sflag:$0x2], $0x1000, $0x38;
	[tilespmem:$0xB280] =	vst v63  }
0x53: {  	_ =	swait.ge [sflag:s4], $0x1000  }
.Ltmp1:
0x54: {  	[sflag:s4] =	ssyncset.done $0x0;
	(pc) =	sbr.rel @p0 .LBB2_1-.Ltmp1, $4  }
0x55: {  	[sflag:s4] =	ssyncadd.s32 $0xFFFFF000  }
0x56: {  	[hbm4b:s21+s3] =	stream.linear.scatter [tilespmem:s12], [sflag:$0x2], $0xA000, $0x38;
	[tilespmem:$0xB280] =	vst v63  }
0x57: {  	_ =	swait.ge [sflag:s4], $0xA000  }
0x58: {  	[sflag:s4] =	ssyncset.done $0x0  }
.LBB2_2:
0x59: {  	[sflag:s4] =	ssyncadd.s32 $0xFFFF6000  }
0x5a: {  	_ =	sfence.sel $0x180000  }
0x5b: {  	[bflag:$0x0] =	sbarrier.arrive $0xFFFF  }
0x5c: {  	p0 =	sne.s32 s1, $0x0;
	_ =	strace $0x90000047  }
0x5d: {  	s0 =	sadd.s32 @!p0 $0x100000, s0;
	[bflag:$0x2] =	sbarrier.arrive $0xFFFF  }
0x5e: {  	[sflag:s0] =	ssyncadd.tile.s32 @!p0 $0x1;
	_ =	shalt  }
.Lfunc_end2:
_tile_overlayer_lowered:
.L_overlay_start_2:
0x5f: {  	(tag) =	ssettag $0x2  }
0x60: {  	s0 =	rddreg [dreg:$0x0];
	s2 =	stileid.u32  }
0x61: {  	s1 =	rddreg [dreg:$0x1];
	p0 =	sne.s32 s2, $0x0  }
0x62: {  	s3 =	rddreg [dreg:$0x2];
	[bflag:$0x3] =	sbarrier.arrive $0xFFFF;
	s2 =	simm.s32 @!p0 $0x1C02  }
0x63: {  	[timem:s3], [sflag:s2] =	dma.local @!p0 [hbm:s0], s1  }
0x64: {  	s0 =	simm.s32 @!p0 $0x2  }
0x65: {  	_ =	swait.ge @!p0 [sflag:s0], s1  }
0x66: {  	s1 =	ssub.s32 @!p0 $0x0, s1;
	[sflag:s0] =	ssyncset.done @!p0 $0x0  }
0x67: {  	[sflag:s0] =	ssyncadd.s32 @!p0 s1  }
0x68: {  	[bflag:$0x3] =	sbarrier.arrive $0xFFFF  }
0x69: {  	_ =	shalt  }

</sc_bundles>
